<compile_context>
chip_gen: v7x
topology: tpu7x:2x2x1
jax: 0.10.2.dev20260603
libtpu: 0.0.44.dev20260713+nightly
codegen_flags: <defaults>
</compile_context>

<pallas_src>
import functools

import jax
import jax.numpy as jnp
from jax.experimental import pallas as pl
from jax.experimental.pallas import tpu as pltpu

_F32 = jnp.float32



def _fps_body(S, xyz_ref, idx_ref, dist_ref):
    G, _, N = xyz_ref.shape
    x = xyz_ref[:, 0, :]
    y = xyz_ref[:, 1, :]
    z = xyz_ref[:, 2, :]
    lane = jax.lax.broadcasted_iota(jnp.int32, (G, N), 1)
    s_lane = jax.lax.broadcasted_iota(jnp.int32, (G, S), 1)
    dist_ref[...] = jnp.full((G, N), 1e10, _F32)

    def step(i, far):
        idx_ref[...] = jnp.where(s_lane == i, far, idx_ref[...])
        m = lane == far
        cx = jnp.sum(jnp.where(m, x, 0.0), axis=1, keepdims=True)
        cy = jnp.sum(jnp.where(m, y, 0.0), axis=1, keepdims=True)
        cz = jnp.sum(jnp.where(m, z, 0.0), axis=1, keepdims=True)
        dx = x - cx
        dy = y - cy
        dz = z - cz
        d = dx * dx + dy * dy + dz * dz
        dist = jnp.minimum(dist_ref[...], d)
        dist_ref[...] = dist
        maxv = jnp.max(dist, axis=1, keepdims=True)
        nxt = jnp.min(jnp.where(dist == maxv, lane, N), axis=1, keepdims=True)
        return nxt.astype(jnp.int32)

    jax.lax.fori_loop(0, S, step, jnp.zeros((G, 1), jnp.int32))


def _fps_pallas_raw(xyz_cn, S):
    B, _, N = xyz_cn.shape
    return pl.pallas_call(
        functools.partial(_fps_body, S),
        out_shape=jax.ShapeDtypeStruct((B, S), jnp.int32),
        scratch_shapes=[pltpu.VMEM((B, N), _F32)],
    )(xyz_cn)


def _fps2_body(S2, xyz_ref, idx_ref, out_ref, dist_ref):
    B, _, N = xyz_ref.shape
    S1 = idx_ref.shape[1]
    x = xyz_ref[:, 0, :]
    y = xyz_ref[:, 1, :]
    z = xyz_ref[:, 2, :]
    iota3 = jax.lax.broadcasted_iota(jnp.int32, (B, S1, N), 2)
    oh = idx_ref[...] == iota3
    xs = jnp.sum(jnp.where(oh, x[:, None, :], 0.0), axis=2)
    ys = jnp.sum(jnp.where(oh, y[:, None, :], 0.0), axis=2)
    zs = jnp.sum(jnp.where(oh, z[:, None, :], 0.0), axis=2)

    lane = jax.lax.broadcasted_iota(jnp.int32, (B, S1), 1)
    s_lane = jax.lax.broadcasted_iota(jnp.int32, (B, S2), 1)
    dist_ref[...] = jnp.full((B, S1), 1e10, _F32)

    def step(i, far):
        out_ref[...] = jnp.where(s_lane == i, far, out_ref[...])
        m = lane == far
        cx = jnp.sum(jnp.where(m, xs, 0.0), axis=1, keepdims=True)
        cy = jnp.sum(jnp.where(m, ys, 0.0), axis=1, keepdims=True)
        cz = jnp.sum(jnp.where(m, zs, 0.0), axis=1, keepdims=True)
        dx = xs - cx
        dy = ys - cy
        dz = zs - cz
        d = dx * dx + dy * dy + dz * dz
        dist = jnp.minimum(dist_ref[...], d)
        dist_ref[...] = dist
        maxv = jnp.max(dist, axis=1, keepdims=True)
        nxt = jnp.min(jnp.where(dist == maxv, lane, S1), axis=1, keepdims=True)
        return nxt.astype(jnp.int32)

    jax.lax.fori_loop(0, S2, step, jnp.zeros((B, 1), jnp.int32))


def _fps2_pallas_raw(xyz_cn, fps1_idx, S2):
    B, _, N = xyz_cn.shape
    S1 = fps1_idx.shape[1]
    idx3 = fps1_idx.reshape(B, S1, 1)
    return pl.pallas_call(
        functools.partial(_fps2_body, S2),
        out_shape=jax.ShapeDtypeStruct((B, S2), jnp.int32),
        scratch_shapes=[pltpu.VMEM((B, S1), _F32)],
    )(xyz_cn, idx3)



def _square_distance(src, dst):
    d = -2.0 * jnp.einsum('bmc,bnc->bmn', src, dst)
    d = d + jnp.sum(src ** 2, axis=-1)[:, :, None]
    d = d + jnp.sum(dst ** 2, axis=-1)[:, None, :]
    return d


def _compute_density(xyz, bandwidth):
    sqrdists = _square_distance(xyz, xyz)
    g = jnp.exp(-sqrdists / (2.0 * bandwidth * bandwidth)) / (2.5 * bandwidth)
    return jnp.mean(g, axis=-1)


def _knn_point(nsample, xyz, new_xyz):
    sqrdists = _square_distance(new_xyz, xyz)
    _, idx = jax.lax.top_k(-sqrdists, nsample)
    return idx


def _index_points(points, idx):
    bidx = jnp.arange(points.shape[0])[:, None, None]
    return points[bidx, idx]


def _batchnorm(x, g, b, axes, eps=1e-5):
    m = jnp.mean(x, axis=axes, keepdims=True)
    v = jnp.var(x, axis=axes, keepdims=True)
    return (x - m) / jnp.sqrt(v + eps) * g + b


def _groupnorm(x, g, b, eps=1e-5):
    m = jnp.mean(x, axis=-1, keepdims=True)
    v = jnp.var(x, axis=-1, keepdims=True)
    return (x - m) / jnp.sqrt(v + eps) * g + b


def _sa_tail(p, new_points, grouped_xyz_norm, grouped_density, b, S):
    h = jnp.einsum('bskc,oc->bsko', new_points, p['conv_w']) + p['conv_b']
    h = jax.nn.relu(_batchnorm(h, p['bn_g'], p['bn_b'], (0, 1, 2)))
    inv_max = jnp.max(grouped_density, axis=2, keepdims=True)
    h = h * (grouped_density / inv_max)
    w = grouped_xyz_norm
    for i in (1, 2, 3):
        w = jnp.einsum('bskc,oc->bsko', w, p['wn%d_w' % i]) + p['wn%d_b' % i]
        w = jax.nn.relu(_batchnorm(w, p['wn%d_g' % i], p['wn%d_b2' % i], (0, 1, 2)))
    feat = jnp.einsum('bskc,bskw->bscw', h, w).reshape(b, S, -1)
    feat = feat @ p['lin_w'].T + p['lin_b']
    feat = jax.nn.relu(_batchnorm(feat, p['bnl_g'], p['bnl_b'], (0, 1)))
    return feat


def _sa_group(xyz, points, fps_idx, nsample, bandwidth):
    density = _compute_density(xyz, bandwidth)
    inv_density = 1.0 / density
    new_xyz = jnp.take_along_axis(xyz, fps_idx[:, :, None], axis=1)
    idx = _knn_point(nsample, xyz, new_xyz)
    grouped_xyz = _index_points(xyz, idx)
    grouped_xyz_norm = grouped_xyz - new_xyz[:, :, None, :]
    grouped_points = _index_points(points, idx)
    new_points = jnp.concatenate([grouped_xyz_norm, grouped_points], axis=-1)
    grouped_density = _index_points(inv_density[:, :, None], idx)
    return new_xyz, new_points, grouped_xyz_norm, grouped_density


def _sa_forward(p, xyz, points, npoint, nsample, bandwidth, fps_idx):
    b = xyz.shape[0]
    new_xyz, new_points, gxn, gd = _sa_group(
        xyz, points, fps_idx, nsample, bandwidth)
    feat = _sa_tail(p, new_points, gxn, gd, b, npoint)
    return new_xyz, feat


def _sa_forward_group_all(p, xyz, points, bandwidth):
    b = xyz.shape[0]
    density = _compute_density(xyz, bandwidth)
    inv_density = 1.0 / density
    grouped_xyz_norm = xyz[:, None, :, :]
    new_points = jnp.concatenate(
        [grouped_xyz_norm, points[:, None, :, :]], axis=-1)
    grouped_density = inv_density[:, None, :, None]
    feat = _sa_tail(p, new_points, grouped_xyz_norm, grouped_density, b, 1)
    return feat


def _rot6d(o):
    x_raw = o[:, 0:3]
    y_raw = o[:, 3:6]

    def normalize(v):
        mag = jnp.sqrt(jnp.sum(v ** 2, axis=1, keepdims=True))
        return v / jnp.maximum(mag, 1e-8)

    x = normalize(x_raw)
    z = normalize(jnp.cross(x, y_raw))
    y = jnp.cross(z, x)
    return jnp.stack([x, y, z], axis=2)


def kernel(xyz, xyz_goal, gripper_eulers, params):
    b = xyz.shape[0]
    l0_xyz = jnp.transpose(xyz[:, :3, :], (0, 2, 1))
    l0_points = jnp.transpose(xyz, (0, 2, 1))
    g0 = jnp.transpose(xyz_goal, (0, 2, 1))

    fps1_m = _fps_pallas_raw(xyz, 512)
    fps1_g = _fps_pallas_raw(xyz_goal, 512)
    l1x, l1p = _sa_forward(params['sa1'], l0_xyz, l0_points, 512, 32, 0.1,
                           fps1_m)
    g1x, g1p = _sa_forward(params['sa1_g'], g0, g0, 512, 32, 0.1, fps1_g)

    l2x, l2p = _sa_forward(params['sa2'], l1x, l1p, 128, 64, 0.2,
                           _fps2_pallas_raw(xyz, fps1_m, 128))
    g2x, g2p = _sa_forward(params['sa2_g'], g1x, g1p, 128, 64, 0.2,
                           _fps2_pallas_raw(xyz_goal, fps1_g, 128))

    l3p = _sa_forward_group_all(params['sa3'], l2x, l2p, 0.4)
    g3p = _sa_forward_group_all(params['sa3_g'], g2x, g2p, 0.4)
    x = l3p.reshape(b, 256)
    g = g3p.reshape(b, 256)

    gr = jax.nn.relu(_groupnorm(
        gripper_eulers @ params['fc1g_w'].T + params['fc1g_b'],
        params['gn1g_g'], params['gn1g_b']))
    gr = jax.nn.relu(_groupnorm(
        gr @ params['fc2g_w'].T + params['fc2g_b'],
        params['gn2g_g'], params['gn2g_b']))
    h = jnp.concatenate([x, g, gr], axis=-1)
    h = jax.nn.relu(_groupnorm(h @ params['fc1_w'].T + params['fc1_b'],
                               params['gn1_g'], params['gn1_b']))
    h = jax.nn.relu(_groupnorm(h @ params['fc3_w'].T + params['fc3_b'],
                               params['gn3_g'], params['gn3_b']))
    h = jax.nn.relu(_groupnorm(h @ params['fc4_w'].T + params['fc4_b'],
                               params['gn4_g'], params['gn4_b']))
    h = h @ params['fc5_w'].T + params['fc5_b']
    position = h[:, :3]
    rot = _rot6d(h[:, 3:])
    return position, rot

# --- scband reference (transcript-rebuilt; emitter-appended) ---
"""Pipeline reference for scband-deformer-net-mp-44169443672116 (READ-ONLY COPY).

The authoritative reference and input builder live on the scoring server;
editing this copy changes nothing except your own understanding.
"""

import jax, jax.numpy as jnp
import numpy as np

B, N = 4, 2048

def square_distance(src, dst):
    d = -2.0 * jnp.einsum('bmc,bnc->bmn', src, dst)
    d = d + jnp.sum(src ** 2, axis=-1)[:, :, None]
    d = d + jnp.sum(dst ** 2, axis=-1)[:, None, :]
    return d

def compute_density(xyz, bandwidth):
    sqrdists = square_distance(xyz, xyz)
    g = jnp.exp(-sqrdists / (2.0 * bandwidth * bandwidth)) / (2.5 * bandwidth)
    return jnp.mean(g, axis=-1)

def farthest_point_sample(xyz, npoint):
    b, n, _ = xyz.shape
    def step(carry, _):
        distance, farthest = carry
        centroid = jnp.take_along_axis(xyz, farthest[:, None, None], axis=1)
        dist = jnp.sum((xyz - centroid) ** 2, axis=-1)
        distance = jnp.minimum(distance, dist)
        nxt = jnp.argmax(distance, axis=-1).astype(jnp.int32)
        return (distance, nxt), farthest
    init = (jnp.full((b, n), 1e10, dtype=xyz.dtype), jnp.zeros((b,), dtype=jnp.int32))
    _, idxs = jax.lax.scan(step, init, None, length=npoint)
    return jnp.transpose(idxs, (1, 0))

def knn_point(nsample, xyz, new_xyz):
    sqrdists = square_distance(new_xyz, xyz)
    _, idx = jax.lax.top_k(-sqrdists, nsample)
    return idx

def index_points(points, idx):
    bidx = jnp.arange(points.shape[0])[:, None, None]
    return points[bidx, idx]

def batchnorm(x, g, b, axes, eps=1e-5):
    m = jnp.mean(x, axis=axes, keepdims=True)
    v = jnp.var(x, axis=axes, keepdims=True)
    return (x - m) / jnp.sqrt(v + eps) * g + b

def groupnorm(x, g, b, eps=1e-5):
    m = jnp.mean(x, axis=-1, keepdims=True)
    v = jnp.var(x, axis=-1, keepdims=True)
    return (x - m) / jnp.sqrt(v + eps) * g + b

def sa_forward(p, xyz, points, npoint, nsample, group_all, bandwidth):
    b = xyz.shape[0]
    density = compute_density(xyz, bandwidth)
    inv_density = 1.0 / density
    if group_all:
        grouped_xyz_norm = xyz[:, None, :, :]
        new_points = jnp.concatenate([grouped_xyz_norm, points[:, None, :, :]], axis=-1)
        grouped_density = inv_density[:, None, :, None]
        new_xyz = jnp.zeros((b, 1, 3), dtype=xyz.dtype)
        S = 1
    else:
        fps_idx = farthest_point_sample(xyz, npoint)
        new_xyz = jnp.take_along_axis(xyz, fps_idx[:, :, None], axis=1)
        idx = knn_point(nsample, xyz, new_xyz)
        grouped_xyz = index_points(xyz, idx)
        grouped_xyz_norm = grouped_xyz - new_xyz[:, :, None, :]
        grouped_points = index_points(points, idx)
        new_points = jnp.concatenate([grouped_xyz_norm, grouped_points], axis=-1)
        grouped_density = index_points(inv_density[:, :, None], idx)
        S = npoint
    h = jnp.einsum('bskc,oc->bsko', new_points, p['conv_w']) + p['conv_b']
    h = jax.nn.relu(batchnorm(h, p['bn_g'], p['bn_b'], (0, 1, 2)))
    inv_max = jnp.max(grouped_density, axis=2, keepdims=True)
    h = h * (grouped_density / inv_max)
    w = grouped_xyz_norm
    for i in (1, 2, 3):
        w = jnp.einsum('bskc,oc->bsko', w, p['wn%d_w' % i]) + p['wn%d_b' % i]
        w = jax.nn.relu(batchnorm(w, p['wn%d_g' % i], p['wn%d_b2' % i], (0, 1, 2)))
    feat = jnp.einsum('bskc,bskw->bscw', h, w).reshape(b, S, -1)
    feat = feat @ p['lin_w'].T + p['lin_b']
    feat = jax.nn.relu(batchnorm(feat, p['bnl_g'], p['bnl_b'], (0, 1)))
    return new_xyz, feat

def compute_rotation_matrix_from_ortho6d(o):
    x_raw = o[:, 0:3]
    y_raw = o[:, 3:6]
    def normalize(v):
        mag = jnp.sqrt(jnp.sum(v ** 2, axis=1, keepdims=True))
        return v / jnp.maximum(mag, 1e-8)
    x = normalize(x_raw)
    z = normalize(jnp.cross(x, y_raw))
    y = jnp.cross(z, x)
    return jnp.stack([x, y, z], axis=2)

def model_forward(params, xyz, xyz_goal, gripper_eulers):
    b = xyz.shape[0]
    l0_xyz = jnp.transpose(xyz[:, :3, :], (0, 2, 1))
    l0_points = jnp.transpose(xyz, (0, 2, 1))
    l1x, l1p = sa_forward(params['sa1'], l0_xyz, l0_points, 512, 32, False, 0.1)
    l2x, l2p = sa_forward(params['sa2'], l1x, l1p, 128, 64, False, 0.2)
    _, l3p = sa_forward(params['sa3'], l2x, l2p, 1, None, True, 0.4)
    x = l3p.reshape(b, 256)
    g0 = jnp.transpose(xyz_goal, (0, 2, 1))
    g1x, g1p = sa_forward(params['sa1_g'], g0, g0, 512, 32, False, 0.1)
    g2x, g2p = sa_forward(params['sa2_g'], g1x, g1p, 128, 64, False, 0.2)
    _, g3p = sa_forward(params['sa3_g'], g2x, g2p, 1, None, True, 0.4)
    g = g3p.reshape(b, 256)
    gr = jax.nn.relu(groupnorm(gripper_eulers @ params['fc1g_w'].T + params['fc1g_b'], params['gn1g_g'], params['gn1g_b']))
    gr = jax.nn.relu(groupnorm(gr @ params['fc2g_w'].T + params['fc2g_b'], params['gn2g_g'], params['gn2g_b']))
    h = jnp.concatenate([x, g, gr], axis=-1)
    h = jax.nn.relu(groupnorm(h @ params['fc1_w'].T + params['fc1_b'], params['gn1_g'], params['gn1_b']))
    h = jax.nn.relu(groupnorm(h @ params['fc3_w'].T + params['fc3_b'], params['gn3_g'], params['gn3_b']))
    h = jax.nn.relu(groupnorm(h @ params['fc4_w'].T + params['fc4_b'], params['gn4_g'], params['gn4_b']))
    h = h @ params['fc5_w'].T + params['fc5_b']
    position = h[:, :3]
    rot = compute_rotation_matrix_from_ortho6d(h[:, 3:])
    return position, rot

def dense_init(key, out_c, in_c):
    k1, k2 = jax.random.split(key)
    lim = float(1.0 / np.sqrt(in_c))
    w = jax.random.uniform(k1, (out_c, in_c), minval=-lim, maxval=lim, dtype=jnp.float32)
    b = jax.random.uniform(k2, (out_c,), minval=-lim, maxval=lim, dtype=jnp.float32)
    return w, b

def sa_init(key, in_ch, out_ch):
    ks = jax.random.split(key, 5)
    p = {}
    p['conv_w'], p['conv_b'] = dense_init(ks[0], out_ch, in_ch)
    p['bn_g'] = jnp.ones((out_ch,), jnp.float32)
    p['bn_b'] = jnp.zeros((out_ch,), jnp.float32)
    for i, (o, ic) in enumerate([(8, 3), (8, 8), (16, 8)], 1):
        p['wn%d_w' % i], p['wn%d_b' % i] = dense_init(ks[i], o, ic)
        p['wn%d_g' % i] = jnp.ones((o,), jnp.float32)
        p['wn%d_b2' % i] = jnp.zeros((o,), jnp.float32)
    p['lin_w'], p['lin_b'] = dense_init(ks[4], out_ch, 16 * out_ch)
    p['bnl_g'] = jnp.ones((out_ch,), jnp.float32)
    p['bnl_b'] = jnp.zeros((out_ch,), jnp.float32)
    return p

def setup_inputs(seed: int = 0):
    key = jax.random.key(seed)
    ks = jax.random.split(key, 16)
    xyz = jax.random.normal(ks[0], (B, 4, N), dtype=jnp.float32)
    xyz_goal = jax.random.normal(ks[1], (B, 3, N), dtype=jnp.float32)
    gripper_eulers = jax.random.normal(ks[2], (B, 3), dtype=jnp.float32)
    params = {}
    params['sa1'] = sa_init(ks[3], 7, 64)
    params['sa2'] = sa_init(ks[4], 67, 128)
    params['sa3'] = sa_init(ks[5], 131, 256)
    params['sa1_g'] = sa_init(ks[6], 6, 64)
    params['sa2_g'] = sa_init(ks[7], 67, 128)
    params['sa3_g'] = sa_init(ks[8], 131, 256)
    params['fc1g_w'], params['fc1g_b'] = dense_init(ks[9], 32, 3)
    params['gn1g_g'] = jnp.ones((32,), jnp.float32)
    params['gn1g_b'] = jnp.zeros((32,), jnp.float32)
    params['fc2g_w'], params['fc2g_b'] = dense_init(ks[10], 32, 32)
    params['gn2g_g'] = jnp.ones((32,), jnp.float32)
    params['gn2g_b'] = jnp.zeros((32,), jnp.float32)
    params['fc1_w'], params['fc1_b'] = dense_init(ks[11], 256, 544)
    params['gn1_g'] = jnp.ones((256,), jnp.float32)
    params['gn1_b'] = jnp.zeros((256,), jnp.float32)
    params['fc3_w'], params['fc3_b'] = dense_init(ks[12], 128, 256)
    params['gn3_g'] = jnp.ones((128,), jnp.float32)
    params['gn3_b'] = jnp.zeros((128,), jnp.float32)
    params['fc4_w'], params['fc4_b'] = dense_init(ks[13], 64, 128)
    params['gn4_g'] = jnp.ones((64,), jnp.float32)
    params['gn4_b'] = jnp.zeros((64,), jnp.float32)
    params['fc5_w'], params['fc5_b'] = dense_init(ks[14], 9, 64)
    return {'xyz': xyz, 'xyz_goal': xyz_goal, 'gripper_eulers': gripper_eulers, 'params': params}

def reference(xyz, xyz_goal, gripper_eulers, params):
    return model_forward(params, xyz, xyz_goal, gripper_eulers)

if __name__ == "__main__":
    import jax
    _d = setup_inputs()
    print(jax.jit(kernel)(*tuple(_d.values())))

</pallas_src>

<mosaic_0001>
module attributes {stable_mosaic.version = 14 : i64} {
  func.func @_fps_body(%arg0: memref<4x4x2048xf32, #tpu.memory_space<vmem>>, %arg1: memref<4x512xi32, #tpu.memory_space<vmem>>, %arg2: memref<4x2048xf32, #tpu.memory_space<vmem>>) attributes {dimension_semantics = [], scalar_prefetch = 0 : i64, scratch_operands = 1 : i64, tpu.core_type = #tpu.core_type<tc>} {
    %get3A = arith.constant 0 : index
    %get3A_0 = arith.constant 0 : index
    %get3A_1 = arith.constant 0 : index
    %get3A_2 = vector.load %arg0[%get3A, %get3A_0, %get3A_1] : memref<4x4x2048xf32, #tpu.memory_space<vmem>>, vector<4x1x2048xf32>
    %get3A_3 = vector.shape_cast %get3A_2 : vector<4x1x2048xf32> to vector<4x2048xf32>
    %get3A_4 = arith.constant 0 : index
    %get3A_5 = arith.constant 1 : index
    %get3A_6 = arith.constant 0 : index
    %get3A_7 = vector.load %arg0[%get3A_4, %get3A_5, %get3A_6] : memref<4x4x2048xf32, #tpu.memory_space<vmem>>, vector<4x1x2048xf32>
    %get3A_8 = vector.shape_cast %get3A_7 : vector<4x1x2048xf32> to vector<4x2048xf32>
    %get3A_9 = arith.constant 0 : index
    %get3A_10 = arith.constant 2 : index
    %get3A_11 = arith.constant 0 : index
    %get3A_12 = vector.load %arg0[%get3A_9, %get3A_10, %get3A_11] : memref<4x4x2048xf32, #tpu.memory_space<vmem>>, vector<4x1x2048xf32>
    %get3A_13 = vector.shape_cast %get3A_12 : vector<4x1x2048xf32> to vector<4x2048xf32>
    %iota3A = tpu.iota {dimensions = array<i32: 1>} : vector<4x2048xi32>
    %iota3A_14 = tpu.iota {dimensions = array<i32: 1>} : vector<4x512xi32>
    %broadcast_in_dim3A = arith.constant 1.000000e+10 : f32
    %broadcast_in_dim3A_15 = vector.broadcast %broadcast_in_dim3A : f32 to vector<4x2048xf32>
    %swap3A = arith.constant 0 : index
    %swap3A_16 = arith.constant 0 : index
    %swap3A_17 = vector.load %arg2[%swap3A, %swap3A_16] : memref<4x2048xf32, #tpu.memory_space<vmem>>, vector<4x2048xf32>
    tpu.vector_store %arg2[%swap3A, %swap3A_16], %broadcast_in_dim3A_15 {strides = array<i32>} : memref<4x2048xf32, #tpu.memory_space<vmem>>, vector<4x2048xf32>,
    %broadcast_in_dim3A_18 = arith.constant 0 : i32
    %broadcast_in_dim3A_19 = vector.broadcast %broadcast_in_dim3A_18 : i32 to vector<4x1xi32>
    %scan3A = arith.constant 0 : i32
    %scan3A_20 = arith.constant 512 : i32
    %scan3A_21 = arith.addi %scan3A, %scan3A_20 : i32
    %scan3A_22 = arith.constant 1 : i32
    %scan3A_23 = scf.for %scan3A_25 = %scan3A to %scan3A_21 step %scan3A_22 iter_args(%scan3A_26 = %broadcast_in_dim3A_19) -> (vector<4x1xi32>)  : i32 {
      %eq3A = vector.broadcast %scan3A_25 : i32 to vector<4x512xi32>
      %eq3A_27 = arith.cmpi eq, %iota3A_14, %eq3A : vector<4x512xi32>
      %get3A_28 = arith.constant 0 : index
      %get3A_29 = arith.constant 0 : index
      %get3A_30 = vector.load %arg1[%get3A_28, %get3A_29] : memref<4x512xi32, #tpu.memory_space<vmem>>, vector<4x512xi32>
      %broadcast_in_dim3A_31 = vector.shape_cast %scan3A_26 : vector<4x1xi32> to vector<4x1xi32>
      %broadcast_in_dim3A_32 = vector.broadcast %broadcast_in_dim3A_31 : vector<4x1xi32> to vector<4x512xi32>
      %select_n3A = arith.select %eq3A_27, %broadcast_in_dim3A_32, %get3A_30 : vector<4x512xi1>, vector<4x512xi32>
      %swap3A_33 = arith.constant 0 : index
      %swap3A_34 = arith.constant 0 : index
      %swap3A_35 = vector.load %arg1[%swap3A_33, %swap3A_34] : memref<4x512xi32, #tpu.memory_space<vmem>>, vector<4x512xi32>
      tpu.vector_store %arg1[%swap3A_33, %swap3A_34], %select_n3A {strides = array<i32>} : memref<4x512xi32, #tpu.memory_space<vmem>>, vector<4x512xi32>,
      %eq3A_36 = vector.broadcast %scan3A_26 : vector<4x1xi32> to vector<4x2048xi32>
      %eq3A_37 = arith.cmpi eq, %iota3A, %eq3A_36 : vector<4x2048xi32>
      %jit3A = arith.constant 0.000000e+00 : f32
      %broadcast_in_dim3A_38 = vector.broadcast %jit3A : f32 to vector<4x2048xf32>
      %select_n3A_39 = arith.select %eq3A_37, %get3A_3, %broadcast_in_dim3A_38 : vector<4x2048xi1>, vector<4x2048xf32>
      %reduce_sum3A = arith.constant dense<0.000000e+00> : vector<4xf32>
      %reduce_sum3A_40 = vector.multi_reduction <add>, %select_n3A_39, %reduce_sum3A [1] : vector<4x2048xf32> to vector<4xf32>
      %broadcast_in_dim3A_41 = vector.shape_cast %reduce_sum3A_40 : vector<4xf32> to vector<4x1xf32>
      %jit3A_42 = arith.constant 0.000000e+00 : f32
      %broadcast_in_dim3A_43 = vector.broadcast %jit3A_42 : f32 to vector<4x2048xf32>
      %select_n3A_44 = arith.select %eq3A_37, %get3A_8, %broadcast_in_dim3A_43 : vector<4x2048xi1>, vector<4x2048xf32>
      %reduce_sum3A_45 = arith.constant dense<0.000000e+00> : vector<4xf32>
      %reduce_sum3A_46 = vector.multi_reduction <add>, %select_n3A_44, %reduce_sum3A_45 [1] : vector<4x2048xf32> to vector<4xf32>
      %broadcast_in_dim3A_47 = vector.shape_cast %reduce_sum3A_46 : vector<4xf32> to vector<4x1xf32>
      %jit3A_48 = arith.constant 0.000000e+00 : f32
      %broadcast_in_dim3A_49 = vector.broadcast %jit3A_48 : f32 to vector<4x2048xf32>
      %select_n3A_50 = arith.select %eq3A_37, %get3A_13, %broadcast_in_dim3A_49 : vector<4x2048xi1>, vector<4x2048xf32>
      %reduce_sum3A_51 = arith.constant dense<0.000000e+00> : vector<4xf32>
      %reduce_sum3A_52 = vector.multi_reduction <add>, %select_n3A_50, %reduce_sum3A_51 [1] : vector<4x2048xf32> to vector<4xf32>
      %broadcast_in_dim3A_53 = vector.shape_cast %reduce_sum3A_52 : vector<4xf32> to vector<4x1xf32>
      %sub3A = vector.broadcast %broadcast_in_dim3A_41 : vector<4x1xf32> to vector<4x2048xf32>
      %sub3A_54 = arith.subf %get3A_3, %sub3A : vector<4x2048xf32>
      %sub3A_55 = vector.broadcast %broadcast_in_dim3A_47 : vector<4x1xf32> to vector<4x2048xf32>
      %sub3A_56 = arith.subf %get3A_8, %sub3A_55 : vector<4x2048xf32>
      %sub3A_57 = vector.broadcast %broadcast_in_dim3A_53 : vector<4x1xf32> to vector<4x2048xf32>
      %sub3A_58 = arith.subf %get3A_13, %sub3A_57 : vector<4x2048xf32>
      %mul3A = arith.mulf %sub3A_54, %sub3A_54 : vector<4x2048xf32>
      %mul3A_59 = arith.mulf %sub3A_56, %sub3A_56 : vector<4x2048xf32>
      %add3A = arith.addf %mul3A, %mul3A_59 : vector<4x2048xf32>
      %mul3A_60 = arith.mulf %sub3A_58, %sub3A_58 : vector<4x2048xf32>
      %add3A_61 = arith.addf %add3A, %mul3A_60 : vector<4x2048xf32>
      %get3A_62 = arith.constant 0 : index
      %get3A_63 = arith.constant 0 : index
      %get3A_64 = vector.load %arg2[%get3A_62, %get3A_63] : memref<4x2048xf32, #tpu.memory_space<vmem>>, vector<4x2048xf32>
      %min3A = arith.minimumf %get3A_64, %add3A_61 : vector<4x2048xf32>
      %swap3A_65 = arith.constant 0 : index
      %swap3A_66 = arith.constant 0 : index
      %swap3A_67 = vector.load %arg2[%swap3A_65, %swap3A_66] : memref<4x2048xf32, #tpu.memory_space<vmem>>, vector<4x2048xf32>
      tpu.vector_store %arg2[%swap3A_65, %swap3A_66], %min3A {strides = array<i32>} : memref<4x2048xf32, #tpu.memory_space<vmem>>, vector<4x2048xf32>,
      %reduce_max3A = arith.constant dense<0xFF800000> : vector<4xf32>
      %reduce_max3A_68 = vector.multi_reduction <maximumf>, %min3A, %reduce_max3A [1] : vector<4x2048xf32> to vector<4xf32>
      %broadcast_in_dim3A_69 = vector.shape_cast %reduce_max3A_68 : vector<4xf32> to vector<4x1xf32>
      %eq3A_70 = vector.broadcast %broadcast_in_dim3A_69 : vector<4x1xf32> to vector<4x2048xf32>
      %eq3A_71 = arith.cmpf oeq, %min3A, %eq3A_70 : vector<4x2048xf32>
      %jit3A_72 = arith.constant 2048 : i32
      %broadcast_in_dim3A_73 = vector.broadcast %jit3A_72 : i32 to vector<4x2048xi32>
      %select_n3A_74 = arith.select %eq3A_71, %iota3A, %broadcast_in_dim3A_73 : vector<4x2048xi1>, vector<4x2048xi32>
      %reduce_min3A = arith.constant dense<2147483647> : vector<4xi32>
      %reduce_min3A_75 = vector.multi_reduction <minsi>, %select_n3A_74, %reduce_min3A [1] : vector<4x2048xi32> to vector<4xi32>
      %broadcast_in_dim3A_76 = vector.shape_cast %reduce_min3A_75 : vector<4xi32> to vector<4x1xi32>
      scf.yield %broadcast_in_dim3A_76 : vector<4x1xi32>
    }
    %scan3A_24 = arith.constant 512 : i32
    return
  }
}

module attributes {stable_mosaic.version = 14 : i64} {
  func.func @_fps2_body(%arg0: memref<4x4x2048xf32, #tpu.memory_space<vmem>>, %arg1: memref<4x512x1xi32, #tpu.memory_space<vmem>>, %arg2: memref<4x128xi32, #tpu.memory_space<vmem>>, %arg3: memref<4x512xf32, #tpu.memory_space<vmem>>) attributes {dimension_semantics = [], scalar_prefetch = 0 : i64, scratch_operands = 1 : i64, tpu.core_type = #tpu.core_type<tc>} {
    %get3A = arith.constant 0 : index
    %get3A_0 = arith.constant 0 : index
    %get3A_1 = arith.constant 0 : index
    %get3A_2 = vector.load %arg0[%get3A, %get3A_0, %get3A_1] : memref<4x4x2048xf32, #tpu.memory_space<vmem>>, vector<4x1x2048xf32>
    %get3A_3 = vector.shape_cast %get3A_2 : vector<4x1x2048xf32> to vector<4x2048xf32>
    %get3A_4 = arith.constant 0 : index
    %get3A_5 = arith.constant 1 : index
    %get3A_6 = arith.constant 0 : index
    %get3A_7 = vector.load %arg0[%get3A_4, %get3A_5, %get3A_6] : memref<4x4x2048xf32, #tpu.memory_space<vmem>>, vector<4x1x2048xf32>
    %get3A_8 = vector.shape_cast %get3A_7 : vector<4x1x2048xf32> to vector<4x2048xf32>
    %get3A_9 = arith.constant 0 : index
    %get3A_10 = arith.constant 2 : index
    %get3A_11 = arith.constant 0 : index
    %get3A_12 = vector.load %arg0[%get3A_9, %get3A_10, %get3A_11] : memref<4x4x2048xf32, #tpu.memory_space<vmem>>, vector<4x1x2048xf32>
    %get3A_13 = vector.shape_cast %get3A_12 : vector<4x1x2048xf32> to vector<4x2048xf32>
    %iota3A = tpu.iota {dimensions = array<i32: 2>} : vector<4x512x2048xi32>
    %get3A_14 = arith.constant 0 : index
    %get3A_15 = arith.constant 0 : index
    %get3A_16 = arith.constant 0 : index
    %get3A_17 = vector.load %arg1[%get3A_14, %get3A_15, %get3A_16] : memref<4x512x1xi32, #tpu.memory_space<vmem>>, vector<4x512x1xi32>
    %eq3A = vector.broadcast %get3A_17 : vector<4x512x1xi32> to vector<4x512x2048xi32>
    %eq3A_18 = arith.cmpi eq, %eq3A, %iota3A : vector<4x512x2048xi32>
    %broadcast_in_dim3A = vector.shape_cast %get3A_3 : vector<4x2048xf32> to vector<4x1x2048xf32>
    %jit3A = arith.constant 0.000000e+00 : f32
    %broadcast_in_dim3A_19 = vector.shape_cast %broadcast_in_dim3A : vector<4x1x2048xf32> to vector<4x1x2048xf32>
    %broadcast_in_dim3A_20 = vector.broadcast %broadcast_in_dim3A_19 : vector<4x1x2048xf32> to vector<4x512x2048xf32>
    %broadcast_in_dim3A_21 = vector.broadcast %jit3A : f32 to vector<4x512x2048xf32>
    %select_n3A = arith.select %eq3A_18, %broadcast_in_dim3A_20, %broadcast_in_dim3A_21 : vector<4x512x2048xi1>, vector<4x512x2048xf32>
    %reduce_sum3A = arith.constant dense<0.000000e+00> : vector<4x512xf32>
    %reduce_sum3A_22 = vector.multi_reduction <add>, %select_n3A, %reduce_sum3A [2] : vector<4x512x2048xf32> to vector<4x512xf32>
    %broadcast_in_dim3A_23 = vector.shape_cast %get3A_8 : vector<4x2048xf32> to vector<4x1x2048xf32>
    %jit3A_24 = arith.constant 0.000000e+00 : f32
    %broadcast_in_dim3A_25 = vector.shape_cast %broadcast_in_dim3A_23 : vector<4x1x2048xf32> to vector<4x1x2048xf32>
    %broadcast_in_dim3A_26 = vector.broadcast %broadcast_in_dim3A_25 : vector<4x1x2048xf32> to vector<4x512x2048xf32>
    %broadcast_in_dim3A_27 = vector.broadcast %jit3A_24 : f32 to vector<4x512x2048xf32>
    %select_n3A_28 = arith.select %eq3A_18, %broadcast_in_dim3A_26, %broadcast_in_dim3A_27 : vector<4x512x2048xi1>, vector<4x512x2048xf32>
    %reduce_sum3A_29 = arith.constant dense<0.000000e+00> : vector<4x512xf32>
    %reduce_sum3A_30 = vector.multi_reduction <add>, %select_n3A_28, %reduce_sum3A_29 [2] : vector<4x512x2048xf32> to vector<4x512xf32>
    %broadcast_in_dim3A_31 = vector.shape_cast %get3A_13 : vector<4x2048xf32> to vector<4x1x2048xf32>
    %jit3A_32 = arith.constant 0.000000e+00 : f32
    %broadcast_in_dim3A_33 = vector.shape_cast %broadcast_in_dim3A_31 : vector<4x1x2048xf32> to vector<4x1x2048xf32>
    %broadcast_in_dim3A_34 = vector.broadcast %broadcast_in_dim3A_33 : vector<4x1x2048xf32> to vector<4x512x2048xf32>
    %broadcast_in_dim3A_35 = vector.broadcast %jit3A_32 : f32 to vector<4x512x2048xf32>
    %select_n3A_36 = arith.select %eq3A_18, %broadcast_in_dim3A_34, %broadcast_in_dim3A_35 : vector<4x512x2048xi1>, vector<4x512x2048xf32>
    %reduce_sum3A_37 = arith.constant dense<0.000000e+00> : vector<4x512xf32>
    %reduce_sum3A_38 = vector.multi_reduction <add>, %select_n3A_36, %reduce_sum3A_37 [2] : vector<4x512x2048xf32> to vector<4x512xf32>
    %iota3A_39 = tpu.iota {dimensions = array<i32: 1>} : vector<4x512xi32>
    %iota3A_40 = tpu.iota {dimensions = array<i32: 1>} : vector<4x128xi32>
    %broadcast_in_dim3A_41 = arith.constant 1.000000e+10 : f32
    %broadcast_in_dim3A_42 = vector.broadcast %broadcast_in_dim3A_41 : f32 to vector<4x512xf32>
    %swap3A = arith.constant 0 : index
    %swap3A_43 = arith.constant 0 : index
    %swap3A_44 = vector.load %arg3[%swap3A, %swap3A_43] : memref<4x512xf32, #tpu.memory_space<vmem>>, vector<4x512xf32>
    tpu.vector_store %arg3[%swap3A, %swap3A_43], %broadcast_in_dim3A_42 {strides = array<i32>} : memref<4x512xf32, #tpu.memory_space<vmem>>, vector<4x512xf32>,
    %broadcast_in_dim3A_45 = arith.constant 0 : i32
    %broadcast_in_dim3A_46 = vector.broadcast %broadcast_in_dim3A_45 : i32 to vector<4x1xi32>
    %scan3A = arith.constant 0 : i32
    %scan3A_47 = arith.constant 128 : i32
    %scan3A_48 = arith.addi %scan3A, %scan3A_47 : i32
    %scan3A_49 = arith.constant 1 : i32
    %scan3A_50 = scf.for %scan3A_52 = %scan3A to %scan3A_48 step %scan3A_49 iter_args(%scan3A_53 = %broadcast_in_dim3A_46) -> (vector<4x1xi32>)  : i32 {
      %eq3A_54 = vector.broadcast %scan3A_52 : i32 to vector<4x128xi32>
      %eq3A_55 = arith.cmpi eq, %iota3A_40, %eq3A_54 : vector<4x128xi32>
      %get3A_56 = arith.constant 0 : index
      %get3A_57 = arith.constant 0 : index
      %get3A_58 = vector.load %arg2[%get3A_56, %get3A_57] : memref<4x128xi32, #tpu.memory_space<vmem>>, vector<4x128xi32>
      %broadcast_in_dim3A_59 = vector.shape_cast %scan3A_53 : vector<4x1xi32> to vector<4x1xi32>
      %broadcast_in_dim3A_60 = vector.broadcast %broadcast_in_dim3A_59 : vector<4x1xi32> to vector<4x128xi32>
      %select_n3A_61 = arith.select %eq3A_55, %broadcast_in_dim3A_60, %get3A_58 : vector<4x128xi1>, vector<4x128xi32>
      %swap3A_62 = arith.constant 0 : index
      %swap3A_63 = arith.constant 0 : index
      %swap3A_64 = vector.load %arg2[%swap3A_62, %swap3A_63] : memref<4x128xi32, #tpu.memory_space<vmem>>, vector<4x128xi32>
      tpu.vector_store %arg2[%swap3A_62, %swap3A_63], %select_n3A_61 {strides = array<i32>} : memref<4x128xi32, #tpu.memory_space<vmem>>, vector<4x128xi32>,
      %eq3A_65 = vector.broadcast %scan3A_53 : vector<4x1xi32> to vector<4x512xi32>
      %eq3A_66 = arith.cmpi eq, %iota3A_39, %eq3A_65 : vector<4x512xi32>
      %jit3A_67 = arith.constant 0.000000e+00 : f32
      %broadcast_in_dim3A_68 = vector.broadcast %jit3A_67 : f32 to vector<4x512xf32>
      %select_n3A_69 = arith.select %eq3A_66, %reduce_sum3A_22, %broadcast_in_dim3A_68 : vector<4x512xi1>, vector<4x512xf32>
      %reduce_sum3A_70 = arith.constant dense<0.000000e+00> : vector<4xf32>
      %reduce_sum3A_71 = vector.multi_reduction <add>, %select_n3A_69, %reduce_sum3A_70 [1] : vector<4x512xf32> to vector<4xf32>
      %broadcast_in_dim3A_72 = vector.shape_cast %reduce_sum3A_71 : vector<4xf32> to vector<4x1xf32>
      %jit3A_73 = arith.constant 0.000000e+00 : f32
      %broadcast_in_dim3A_74 = vector.broadcast %jit3A_73 : f32 to vector<4x512xf32>
      %select_n3A_75 = arith.select %eq3A_66, %reduce_sum3A_30, %broadcast_in_dim3A_74 : vector<4x512xi1>, vector<4x512xf32>
      %reduce_sum3A_76 = arith.constant dense<0.000000e+00> : vector<4xf32>
      %reduce_sum3A_77 = vector.multi_reduction <add>, %select_n3A_75, %reduce_sum3A_76 [1] : vector<4x512xf32> to vector<4xf32>
      %broadcast_in_dim3A_78 = vector.shape_cast %reduce_sum3A_77 : vector<4xf32> to vector<4x1xf32>
      %jit3A_79 = arith.constant 0.000000e+00 : f32
      %broadcast_in_dim3A_80 = vector.broadcast %jit3A_79 : f32 to vector<4x512xf32>
      %select_n3A_81 = arith.select %eq3A_66, %reduce_sum3A_38, %broadcast_in_dim3A_80 : vector<4x512xi1>, vector<4x512xf32>
      %reduce_sum3A_82 = arith.constant dense<0.000000e+00> : vector<4xf32>
      %reduce_sum3A_83 = vector.multi_reduction <add>, %select_n3A_81, %reduce_sum3A_82 [1] : vector<4x512xf32> to vector<4xf32>
      %broadcast_in_dim3A_84 = vector.shape_cast %reduce_sum3A_83 : vector<4xf32> to vector<4x1xf32>
      %sub3A = vector.broadcast %broadcast_in_dim3A_72 : vector<4x1xf32> to vector<4x512xf32>
      %sub3A_85 = arith.subf %reduce_sum3A_22, %sub3A : vector<4x512xf32>
      %sub3A_86 = vector.broadcast %broadcast_in_dim3A_78 : vector<4x1xf32> to vector<4x512xf32>
      %sub3A_87 = arith.subf %reduce_sum3A_30, %sub3A_86 : vector<4x512xf32>
      %sub3A_88 = vector.broadcast %broadcast_in_dim3A_84 : vector<4x1xf32> to vector<4x512xf32>
      %sub3A_89 = arith.subf %reduce_sum3A_38, %sub3A_88 : vector<4x512xf32>
      %mul3A = arith.mulf %sub3A_85, %sub3A_85 : vector<4x512xf32>
      %mul3A_90 = arith.mulf %sub3A_87, %sub3A_87 : vector<4x512xf32>
      %add3A = arith.addf %mul3A, %mul3A_90 : vector<4x512xf32>
      %mul3A_91 = arith.mulf %sub3A_89, %sub3A_89 : vector<4x512xf32>
      %add3A_92 = arith.addf %add3A, %mul3A_91 : vector<4x512xf32>
      %get3A_93 = arith.constant 0 : index
      %get3A_94 = arith.constant 0 : index
      %get3A_95 = vector.load %arg3[%get3A_93, %get3A_94] : memref<4x512xf32, #tpu.memory_space<vmem>>, vector<4x512xf32>
      %min3A = arith.minimumf %get3A_95, %add3A_92 : vector<4x512xf32>
      %swap3A_96 = arith.constant 0 : index
      %swap3A_97 = arith.constant 0 : index
      %swap3A_98 = vector.load %arg3[%swap3A_96, %swap3A_97] : memref<4x512xf32, #tpu.memory_space<vmem>>, vector<4x512xf32>
      tpu.vector_store %arg3[%swap3A_96, %swap3A_97], %min3A {strides = array<i32>} : memref<4x512xf32, #tpu.memory_space<vmem>>, vector<4x512xf32>,
      %reduce_max3A = arith.constant dense<0xFF800000> : vector<4xf32>
      %reduce_max3A_99 = vector.multi_reduction <maximumf>, %min3A, %reduce_max3A [1] : vector<4x512xf32> to vector<4xf32>
      %broadcast_in_dim3A_100 = vector.shape_cast %reduce_max3A_99 : vector<4xf32> to vector<4x1xf32>
      %eq3A_101 = vector.broadcast %broadcast_in_dim3A_100 : vector<4x1xf32> to vector<4x512xf32>
      %eq3A_102 = arith.cmpf oeq, %min3A, %eq3A_101 : vector<4x512xf32>
      %jit3A_103 = arith.constant 512 : i32
      %broadcast_in_dim3A_104 = vector.broadcast %jit3A_103 : i32 to vector<4x512xi32>
      %select_n3A_105 = arith.select %eq3A_102, %iota3A_39, %broadcast_in_dim3A_104 : vector<4x512xi1>, vector<4x512xi32>
      %reduce_min3A = arith.constant dense<2147483647> : vector<4xi32>
      %reduce_min3A_106 = vector.multi_reduction <minsi>, %select_n3A_105, %reduce_min3A [1] : vector<4x512xi32> to vector<4xi32>
      %broadcast_in_dim3A_107 = vector.shape_cast %reduce_min3A_106 : vector<4xi32> to vector<4x1xi32>
      scf.yield %broadcast_in_dim3A_107 : vector<4x1xi32>
    }
    %scan3A_51 = arith.constant 128 : i32
    return
  }
}

module attributes {stable_mosaic.version = 14 : i64} {
  func.func @_fps_body(%arg0: memref<4x3x2048xf32, #tpu.memory_space<vmem>>, %arg1: memref<4x512xi32, #tpu.memory_space<vmem>>, %arg2: memref<4x2048xf32, #tpu.memory_space<vmem>>) attributes {dimension_semantics = [], scalar_prefetch = 0 : i64, scratch_operands = 1 : i64, tpu.core_type = #tpu.core_type<tc>} {
    %get3A = arith.constant 0 : index
    %get3A_0 = arith.constant 0 : index
    %get3A_1 = arith.constant 0 : index
    %get3A_2 = vector.load %arg0[%get3A, %get3A_0, %get3A_1] : memref<4x3x2048xf32, #tpu.memory_space<vmem>>, vector<4x1x2048xf32>
    %get3A_3 = vector.shape_cast %get3A_2 : vector<4x1x2048xf32> to vector<4x2048xf32>
    %get3A_4 = arith.constant 0 : index
    %get3A_5 = arith.constant 1 : index
    %get3A_6 = arith.constant 0 : index
    %get3A_7 = vector.load %arg0[%get3A_4, %get3A_5, %get3A_6] : memref<4x3x2048xf32, #tpu.memory_space<vmem>>, vector<4x1x2048xf32>
    %get3A_8 = vector.shape_cast %get3A_7 : vector<4x1x2048xf32> to vector<4x2048xf32>
    %get3A_9 = arith.constant 0 : index
    %get3A_10 = arith.constant 2 : index
    %get3A_11 = arith.constant 0 : index
    %get3A_12 = vector.load %arg0[%get3A_9, %get3A_10, %get3A_11] : memref<4x3x2048xf32, #tpu.memory_space<vmem>>, vector<4x1x2048xf32>
    %get3A_13 = vector.shape_cast %get3A_12 : vector<4x1x2048xf32> to vector<4x2048xf32>
    %iota3A = tpu.iota {dimensions = array<i32: 1>} : vector<4x2048xi32>
    %iota3A_14 = tpu.iota {dimensions = array<i32: 1>} : vector<4x512xi32>
    %broadcast_in_dim3A = arith.constant 1.000000e+10 : f32
    %broadcast_in_dim3A_15 = vector.broadcast %broadcast_in_dim3A : f32 to vector<4x2048xf32>
    %swap3A = arith.constant 0 : index
    %swap3A_16 = arith.constant 0 : index
    %swap3A_17 = vector.load %arg2[%swap3A, %swap3A_16] : memref<4x2048xf32, #tpu.memory_space<vmem>>, vector<4x2048xf32>
    tpu.vector_store %arg2[%swap3A, %swap3A_16], %broadcast_in_dim3A_15 {strides = array<i32>} : memref<4x2048xf32, #tpu.memory_space<vmem>>, vector<4x2048xf32>,
    %broadcast_in_dim3A_18 = arith.constant 0 : i32
    %broadcast_in_dim3A_19 = vector.broadcast %broadcast_in_dim3A_18 : i32 to vector<4x1xi32>
    %scan3A = arith.constant 0 : i32
    %scan3A_20 = arith.constant 512 : i32
    %scan3A_21 = arith.addi %scan3A, %scan3A_20 : i32
    %scan3A_22 = arith.constant 1 : i32
    %scan3A_23 = scf.for %scan3A_25 = %scan3A to %scan3A_21 step %scan3A_22 iter_args(%scan3A_26 = %broadcast_in_dim3A_19) -> (vector<4x1xi32>)  : i32 {
      %eq3A = vector.broadcast %scan3A_25 : i32 to vector<4x512xi32>
      %eq3A_27 = arith.cmpi eq, %iota3A_14, %eq3A : vector<4x512xi32>
      %get3A_28 = arith.constant 0 : index
      %get3A_29 = arith.constant 0 : index
      %get3A_30 = vector.load %arg1[%get3A_28, %get3A_29] : memref<4x512xi32, #tpu.memory_space<vmem>>, vector<4x512xi32>
      %broadcast_in_dim3A_31 = vector.shape_cast %scan3A_26 : vector<4x1xi32> to vector<4x1xi32>
      %broadcast_in_dim3A_32 = vector.broadcast %broadcast_in_dim3A_31 : vector<4x1xi32> to vector<4x512xi32>
      %select_n3A = arith.select %eq3A_27, %broadcast_in_dim3A_32, %get3A_30 : vector<4x512xi1>, vector<4x512xi32>
      %swap3A_33 = arith.constant 0 : index
      %swap3A_34 = arith.constant 0 : index
      %swap3A_35 = vector.load %arg1[%swap3A_33, %swap3A_34] : memref<4x512xi32, #tpu.memory_space<vmem>>, vector<4x512xi32>
      tpu.vector_store %arg1[%swap3A_33, %swap3A_34], %select_n3A {strides = array<i32>} : memref<4x512xi32, #tpu.memory_space<vmem>>, vector<4x512xi32>,
      %eq3A_36 = vector.broadcast %scan3A_26 : vector<4x1xi32> to vector<4x2048xi32>
      %eq3A_37 = arith.cmpi eq, %iota3A, %eq3A_36 : vector<4x2048xi32>
      %jit3A = arith.constant 0.000000e+00 : f32
      %broadcast_in_dim3A_38 = vector.broadcast %jit3A : f32 to vector<4x2048xf32>
      %select_n3A_39 = arith.select %eq3A_37, %get3A_3, %broadcast_in_dim3A_38 : vector<4x2048xi1>, vector<4x2048xf32>
      %reduce_sum3A = arith.constant dense<0.000000e+00> : vector<4xf32>
      %reduce_sum3A_40 = vector.multi_reduction <add>, %select_n3A_39, %reduce_sum3A [1] : vector<4x2048xf32> to vector<4xf32>
      %broadcast_in_dim3A_41 = vector.shape_cast %reduce_sum3A_40 : vector<4xf32> to vector<4x1xf32>
      %jit3A_42 = arith.constant 0.000000e+00 : f32
      %broadcast_in_dim3A_43 = vector.broadcast %jit3A_42 : f32 to vector<4x2048xf32>
      %select_n3A_44 = arith.select %eq3A_37, %get3A_8, %broadcast_in_dim3A_43 : vector<4x2048xi1>, vector<4x2048xf32>
      %reduce_sum3A_45 = arith.constant dense<0.000000e+00> : vector<4xf32>
      %reduce_sum3A_46 = vector.multi_reduction <add>, %select_n3A_44, %reduce_sum3A_45 [1] : vector<4x2048xf32> to vector<4xf32>
      %broadcast_in_dim3A_47 = vector.shape_cast %reduce_sum3A_46 : vector<4xf32> to vector<4x1xf32>
      %jit3A_48 = arith.constant 0.000000e+00 : f32
      %broadcast_in_dim3A_49 = vector.broadcast %jit3A_48 : f32 to vector<4x2048xf32>
      %select_n3A_50 = arith.select %eq3A_37, %get3A_13, %broadcast_in_dim3A_49 : vector<4x2048xi1>, vector<4x2048xf32>
      %reduce_sum3A_51 = arith.constant dense<0.000000e+00> : vector<4xf32>
      %reduce_sum3A_52 = vector.multi_reduction <add>, %select_n3A_50, %reduce_sum3A_51 [1] : vector<4x2048xf32> to vector<4xf32>
      %broadcast_in_dim3A_53 = vector.shape_cast %reduce_sum3A_52 : vector<4xf32> to vector<4x1xf32>
      %sub3A = vector.broadcast %broadcast_in_dim3A_41 : vector<4x1xf32> to vector<4x2048xf32>
      %sub3A_54 = arith.subf %get3A_3, %sub3A : vector<4x2048xf32>
      %sub3A_55 = vector.broadcast %broadcast_in_dim3A_47 : vector<4x1xf32> to vector<4x2048xf32>
      %sub3A_56 = arith.subf %get3A_8, %sub3A_55 : vector<4x2048xf32>
      %sub3A_57 = vector.broadcast %broadcast_in_dim3A_53 : vector<4x1xf32> to vector<4x2048xf32>
      %sub3A_58 = arith.subf %get3A_13, %sub3A_57 : vector<4x2048xf32>
      %mul3A = arith.mulf %sub3A_54, %sub3A_54 : vector<4x2048xf32>
      %mul3A_59 = arith.mulf %sub3A_56, %sub3A_56 : vector<4x2048xf32>
      %add3A = arith.addf %mul3A, %mul3A_59 : vector<4x2048xf32>
      %mul3A_60 = arith.mulf %sub3A_58, %sub3A_58 : vector<4x2048xf32>
      %add3A_61 = arith.addf %add3A, %mul3A_60 : vector<4x2048xf32>
      %get3A_62 = arith.constant 0 : index
      %get3A_63 = arith.constant 0 : index
      %get3A_64 = vector.load %arg2[%get3A_62, %get3A_63] : memref<4x2048xf32, #tpu.memory_space<vmem>>, vector<4x2048xf32>
      %min3A = arith.minimumf %get3A_64, %add3A_61 : vector<4x2048xf32>
      %swap3A_65 = arith.constant 0 : index
      %swap3A_66 = arith.constant 0 : index
      %swap3A_67 = vector.load %arg2[%swap3A_65, %swap3A_66] : memref<4x2048xf32, #tpu.memory_space<vmem>>, vector<4x2048xf32>
      tpu.vector_store %arg2[%swap3A_65, %swap3A_66], %min3A {strides = array<i32>} : memref<4x2048xf32, #tpu.memory_space<vmem>>, vector<4x2048xf32>,
      %reduce_max3A = arith.constant dense<0xFF800000> : vector<4xf32>
      %reduce_max3A_68 = vector.multi_reduction <maximumf>, %min3A, %reduce_max3A [1] : vector<4x2048xf32> to vector<4xf32>
      %broadcast_in_dim3A_69 = vector.shape_cast %reduce_max3A_68 : vector<4xf32> to vector<4x1xf32>
      %eq3A_70 = vector.broadcast %broadcast_in_dim3A_69 : vector<4x1xf32> to vector<4x2048xf32>
      %eq3A_71 = arith.cmpf oeq, %min3A, %eq3A_70 : vector<4x2048xf32>
      %jit3A_72 = arith.constant 2048 : i32
      %broadcast_in_dim3A_73 = vector.broadcast %jit3A_72 : i32 to vector<4x2048xi32>
      %select_n3A_74 = arith.select %eq3A_71, %iota3A, %broadcast_in_dim3A_73 : vector<4x2048xi1>, vector<4x2048xi32>
      %reduce_min3A = arith.constant dense<2147483647> : vector<4xi32>
      %reduce_min3A_75 = vector.multi_reduction <minsi>, %select_n3A_74, %reduce_min3A [1] : vector<4x2048xi32> to vector<4xi32>
      %broadcast_in_dim3A_76 = vector.shape_cast %reduce_min3A_75 : vector<4xi32> to vector<4x1xi32>
      scf.yield %broadcast_in_dim3A_76 : vector<4x1xi32>
    }
    %scan3A_24 = arith.constant 512 : i32
    return
  }
}

module attributes {stable_mosaic.version = 14 : i64} {
  func.func @_fps2_body(%arg0: memref<4x3x2048xf32, #tpu.memory_space<vmem>>, %arg1: memref<4x512x1xi32, #tpu.memory_space<vmem>>, %arg2: memref<4x128xi32, #tpu.memory_space<vmem>>, %arg3: memref<4x512xf32, #tpu.memory_space<vmem>>) attributes {dimension_semantics = [], scalar_prefetch = 0 : i64, scratch_operands = 1 : i64, tpu.core_type = #tpu.core_type<tc>} {
    %get3A = arith.constant 0 : index
    %get3A_0 = arith.constant 0 : index
    %get3A_1 = arith.constant 0 : index
    %get3A_2 = vector.load %arg0[%get3A, %get3A_0, %get3A_1] : memref<4x3x2048xf32, #tpu.memory_space<vmem>>, vector<4x1x2048xf32>
    %get3A_3 = vector.shape_cast %get3A_2 : vector<4x1x2048xf32> to vector<4x2048xf32>
    %get3A_4 = arith.constant 0 : index
    %get3A_5 = arith.constant 1 : index
    %get3A_6 = arith.constant 0 : index
    %get3A_7 = vector.load %arg0[%get3A_4, %get3A_5, %get3A_6] : memref<4x3x2048xf32, #tpu.memory_space<vmem>>, vector<4x1x2048xf32>
    %get3A_8 = vector.shape_cast %get3A_7 : vector<4x1x2048xf32> to vector<4x2048xf32>
    %get3A_9 = arith.constant 0 : index
    %get3A_10 = arith.constant 2 : index
    %get3A_11 = arith.constant 0 : index
    %get3A_12 = vector.load %arg0[%get3A_9, %get3A_10, %get3A_11] : memref<4x3x2048xf32, #tpu.memory_space<vmem>>, vector<4x1x2048xf32>
    %get3A_13 = vector.shape_cast %get3A_12 : vector<4x1x2048xf32> to vector<4x2048xf32>
    %iota3A = tpu.iota {dimensions = array<i32: 2>} : vector<4x512x2048xi32>
    %get3A_14 = arith.constant 0 : index
    %get3A_15 = arith.constant 0 : index
    %get3A_16 = arith.constant 0 : index
    %get3A_17 = vector.load %arg1[%get3A_14, %get3A_15, %get3A_16] : memref<4x512x1xi32, #tpu.memory_space<vmem>>, vector<4x512x1xi32>
    %eq3A = vector.broadcast %get3A_17 : vector<4x512x1xi32> to vector<4x512x2048xi32>
    %eq3A_18 = arith.cmpi eq, %eq3A, %iota3A : vector<4x512x2048xi32>
    %broadcast_in_dim3A = vector.shape_cast %get3A_3 : vector<4x2048xf32> to vector<4x1x2048xf32>
    %jit3A = arith.constant 0.000000e+00 : f32
    %broadcast_in_dim3A_19 = vector.shape_cast %broadcast_in_dim3A : vector<4x1x2048xf32> to vector<4x1x2048xf32>
    %broadcast_in_dim3A_20 = vector.broadcast %broadcast_in_dim3A_19 : vector<4x1x2048xf32> to vector<4x512x2048xf32>
    %broadcast_in_dim3A_21 = vector.broadcast %jit3A : f32 to vector<4x512x2048xf32>
    %select_n3A = arith.select %eq3A_18, %broadcast_in_dim3A_20, %broadcast_in_dim3A_21 : vector<4x512x2048xi1>, vector<4x512x2048xf32>
    %reduce_sum3A = arith.constant dense<0.000000e+00> : vector<4x512xf32>
    %reduce_sum3A_22 = vector.multi_reduction <add>, %select_n3A, %reduce_sum3A [2] : vector<4x512x2048xf32> to vector<4x512xf32>
    %broadcast_in_dim3A_23 = vector.shape_cast %get3A_8 : vector<4x2048xf32> to vector<4x1x2048xf32>
    %jit3A_24 = arith.constant 0.000000e+00 : f32
    %broadcast_in_dim3A_25 = vector.shape_cast %broadcast_in_dim3A_23 : vector<4x1x2048xf32> to vector<4x1x2048xf32>
    %broadcast_in_dim3A_26 = vector.broadcast %broadcast_in_dim3A_25 : vector<4x1x2048xf32> to vector<4x512x2048xf32>
    %broadcast_in_dim3A_27 = vector.broadcast %jit3A_24 : f32 to vector<4x512x2048xf32>
    %select_n3A_28 = arith.select %eq3A_18, %broadcast_in_dim3A_26, %broadcast_in_dim3A_27 : vector<4x512x2048xi1>, vector<4x512x2048xf32>
    %reduce_sum3A_29 = arith.constant dense<0.000000e+00> : vector<4x512xf32>
    %reduce_sum3A_30 = vector.multi_reduction <add>, %select_n3A_28, %reduce_sum3A_29 [2] : vector<4x512x2048xf32> to vector<4x512xf32>
    %broadcast_in_dim3A_31 = vector.shape_cast %get3A_13 : vector<4x2048xf32> to vector<4x1x2048xf32>
    %jit3A_32 = arith.constant 0.000000e+00 : f32
    %broadcast_in_dim3A_33 = vector.shape_cast %broadcast_in_dim3A_31 : vector<4x1x2048xf32> to vector<4x1x2048xf32>
    %broadcast_in_dim3A_34 = vector.broadcast %broadcast_in_dim3A_33 : vector<4x1x2048xf32> to vector<4x512x2048xf32>
    %broadcast_in_dim3A_35 = vector.broadcast %jit3A_32 : f32 to vector<4x512x2048xf32>
    %select_n3A_36 = arith.select %eq3A_18, %broadcast_in_dim3A_34, %broadcast_in_dim3A_35 : vector<4x512x2048xi1>, vector<4x512x2048xf32>
    %reduce_sum3A_37 = arith.constant dense<0.000000e+00> : vector<4x512xf32>
    %reduce_sum3A_38 = vector.multi_reduction <add>, %select_n3A_36, %reduce_sum3A_37 [2] : vector<4x512x2048xf32> to vector<4x512xf32>
    %iota3A_39 = tpu.iota {dimensions = array<i32: 1>} : vector<4x512xi32>
    %iota3A_40 = tpu.iota {dimensions = array<i32: 1>} : vector<4x128xi32>
    %broadcast_in_dim3A_41 = arith.constant 1.000000e+10 : f32
    %broadcast_in_dim3A_42 = vector.broadcast %broadcast_in_dim3A_41 : f32 to vector<4x512xf32>
    %swap3A = arith.constant 0 : index
    %swap3A_43 = arith.constant 0 : index
    %swap3A_44 = vector.load %arg3[%swap3A, %swap3A_43] : memref<4x512xf32, #tpu.memory_space<vmem>>, vector<4x512xf32>
    tpu.vector_store %arg3[%swap3A, %swap3A_43], %broadcast_in_dim3A_42 {strides = array<i32>} : memref<4x512xf32, #tpu.memory_space<vmem>>, vector<4x512xf32>,
    %broadcast_in_dim3A_45 = arith.constant 0 : i32
    %broadcast_in_dim3A_46 = vector.broadcast %broadcast_in_dim3A_45 : i32 to vector<4x1xi32>
    %scan3A = arith.constant 0 : i32
    %scan3A_47 = arith.constant 128 : i32
    %scan3A_48 = arith.addi %scan3A, %scan3A_47 : i32
    %scan3A_49 = arith.constant 1 : i32
    %scan3A_50 = scf.for %scan3A_52 = %scan3A to %scan3A_48 step %scan3A_49 iter_args(%scan3A_53 = %broadcast_in_dim3A_46) -> (vector<4x1xi32>)  : i32 {
      %eq3A_54 = vector.broadcast %scan3A_52 : i32 to vector<4x128xi32>
      %eq3A_55 = arith.cmpi eq, %iota3A_40, %eq3A_54 : vector<4x128xi32>
      %get3A_56 = arith.constant 0 : index
      %get3A_57 = arith.constant 0 : index
      %get3A_58 = vector.load %arg2[%get3A_56, %get3A_57] : memref<4x128xi32, #tpu.memory_space<vmem>>, vector<4x128xi32>
      %broadcast_in_dim3A_59 = vector.shape_cast %scan3A_53 : vector<4x1xi32> to vector<4x1xi32>
      %broadcast_in_dim3A_60 = vector.broadcast %broadcast_in_dim3A_59 : vector<4x1xi32> to vector<4x128xi32>
      %select_n3A_61 = arith.select %eq3A_55, %broadcast_in_dim3A_60, %get3A_58 : vector<4x128xi1>, vector<4x128xi32>
      %swap3A_62 = arith.constant 0 : index
      %swap3A_63 = arith.constant 0 : index
      %swap3A_64 = vector.load %arg2[%swap3A_62, %swap3A_63] : memref<4x128xi32, #tpu.memory_space<vmem>>, vector<4x128xi32>
      tpu.vector_store %arg2[%swap3A_62, %swap3A_63], %select_n3A_61 {strides = array<i32>} : memref<4x128xi32, #tpu.memory_space<vmem>>, vector<4x128xi32>,
      %eq3A_65 = vector.broadcast %scan3A_53 : vector<4x1xi32> to vector<4x512xi32>
      %eq3A_66 = arith.cmpi eq, %iota3A_39, %eq3A_65 : vector<4x512xi32>
      %jit3A_67 = arith.constant 0.000000e+00 : f32
      %broadcast_in_dim3A_68 = vector.broadcast %jit3A_67 : f32 to vector<4x512xf32>
      %select_n3A_69 = arith.select %eq3A_66, %reduce_sum3A_22, %broadcast_in_dim3A_68 : vector<4x512xi1>, vector<4x512xf32>
      %reduce_sum3A_70 = arith.constant dense<0.000000e+00> : vector<4xf32>
      %reduce_sum3A_71 = vector.multi_reduction <add>, %select_n3A_69, %reduce_sum3A_70 [1] : vector<4x512xf32> to vector<4xf32>
      %broadcast_in_dim3A_72 = vector.shape_cast %reduce_sum3A_71 : vector<4xf32> to vector<4x1xf32>
      %jit3A_73 = arith.constant 0.000000e+00 : f32
      %broadcast_in_dim3A_74 = vector.broadcast %jit3A_73 : f32 to vector<4x512xf32>
      %select_n3A_75 = arith.select %eq3A_66, %reduce_sum3A_30, %broadcast_in_dim3A_74 : vector<4x512xi1>, vector<4x512xf32>
      %reduce_sum3A_76 = arith.constant dense<0.000000e+00> : vector<4xf32>
      %reduce_sum3A_77 = vector.multi_reduction <add>, %select_n3A_75, %reduce_sum3A_76 [1] : vector<4x512xf32> to vector<4xf32>
      %broadcast_in_dim3A_78 = vector.shape_cast %reduce_sum3A_77 : vector<4xf32> to vector<4x1xf32>
      %jit3A_79 = arith.constant 0.000000e+00 : f32
      %broadcast_in_dim3A_80 = vector.broadcast %jit3A_79 : f32 to vector<4x512xf32>
      %select_n3A_81 = arith.select %eq3A_66, %reduce_sum3A_38, %broadcast_in_dim3A_80 : vector<4x512xi1>, vector<4x512xf32>
      %reduce_sum3A_82 = arith.constant dense<0.000000e+00> : vector<4xf32>
      %reduce_sum3A_83 = vector.multi_reduction <add>, %select_n3A_81, %reduce_sum3A_82 [1] : vector<4x512xf32> to vector<4xf32>
      %broadcast_in_dim3A_84 = vector.shape_cast %reduce_sum3A_83 : vector<4xf32> to vector<4x1xf32>
      %sub3A = vector.broadcast %broadcast_in_dim3A_72 : vector<4x1xf32> to vector<4x512xf32>
      %sub3A_85 = arith.subf %reduce_sum3A_22, %sub3A : vector<4x512xf32>
      %sub3A_86 = vector.broadcast %broadcast_in_dim3A_78 : vector<4x1xf32> to vector<4x512xf32>
      %sub3A_87 = arith.subf %reduce_sum3A_30, %sub3A_86 : vector<4x512xf32>
      %sub3A_88 = vector.broadcast %broadcast_in_dim3A_84 : vector<4x1xf32> to vector<4x512xf32>
      %sub3A_89 = arith.subf %reduce_sum3A_38, %sub3A_88 : vector<4x512xf32>
      %mul3A = arith.mulf %sub3A_85, %sub3A_85 : vector<4x512xf32>
      %mul3A_90 = arith.mulf %sub3A_87, %sub3A_87 : vector<4x512xf32>
      %add3A = arith.addf %mul3A, %mul3A_90 : vector<4x512xf32>
      %mul3A_91 = arith.mulf %sub3A_89, %sub3A_89 : vector<4x512xf32>
      %add3A_92 = arith.addf %add3A, %mul3A_91 : vector<4x512xf32>
      %get3A_93 = arith.constant 0 : index
      %get3A_94 = arith.constant 0 : index
      %get3A_95 = vector.load %arg3[%get3A_93, %get3A_94] : memref<4x512xf32, #tpu.memory_space<vmem>>, vector<4x512xf32>
      %min3A = arith.minimumf %get3A_95, %add3A_92 : vector<4x512xf32>
      %swap3A_96 = arith.constant 0 : index
      %swap3A_97 = arith.constant 0 : index
      %swap3A_98 = vector.load %arg3[%swap3A_96, %swap3A_97] : memref<4x512xf32, #tpu.memory_space<vmem>>, vector<4x512xf32>
      tpu.vector_store %arg3[%swap3A_96, %swap3A_97], %min3A {strides = array<i32>} : memref<4x512xf32, #tpu.memory_space<vmem>>, vector<4x512xf32>,
      %reduce_max3A = arith.constant dense<0xFF800000> : vector<4xf32>
      %reduce_max3A_99 = vector.multi_reduction <maximumf>, %min3A, %reduce_max3A [1] : vector<4x512xf32> to vector<4xf32>
      %broadcast_in_dim3A_100 = vector.shape_cast %reduce_max3A_99 : vector<4xf32> to vector<4x1xf32>
      %eq3A_101 = vector.broadcast %broadcast_in_dim3A_100 : vector<4x1xf32> to vector<4x512xf32>
      %eq3A_102 = arith.cmpf oeq, %min3A, %eq3A_101 : vector<4x512xf32>
      %jit3A_103 = arith.constant 512 : i32
      %broadcast_in_dim3A_104 = vector.broadcast %jit3A_103 : i32 to vector<4x512xi32>
      %select_n3A_105 = arith.select %eq3A_102, %iota3A_39, %broadcast_in_dim3A_104 : vector<4x512xi1>, vector<4x512xi32>
      %reduce_min3A = arith.constant dense<2147483647> : vector<4xi32>
      %reduce_min3A_106 = vector.multi_reduction <minsi>, %select_n3A_105, %reduce_min3A [1] : vector<4x512xi32> to vector<4xi32>
      %broadcast_in_dim3A_107 = vector.shape_cast %reduce_min3A_106 : vector<4xi32> to vector<4x1xi32>
      scf.yield %broadcast_in_dim3A_107 : vector<4x1xi32>
    }
    %scan3A_51 = arith.constant 128 : i32
    return
  }
}

</mosaic_0001>

<sc_bundles>
// kernel: gather_offload_async_start.1
scs
__scs_entry_jumppad:
0x0: {  	(pc) =	sbr.rel $0x88, $3  }
0x1: {  	(tag) =	ssettag $0x0;
	lr =	simm.s32 $0x1  }
0x2: {  	[smem:$0x3F10] =	sst lr;
	_ =	strace $0xD0000000  }
0x3: {  	_ = 	snop  }
0x4: {  	_ = 	snop  }
0x5: {  	_ = 	snop  }
0x6: {  	_ = 	snop  }
0x7: {  	_ = 	snop  }
__scs_overlays_trampoline_lowered:
0x8: {  	[smem:$0x3F1F] =	sst s0  }
0x9: {  	[smem:$0x3F20] =	sst s1  }
0xa: {  	[smem:$0x3F21] =	sst s2  }
0xb: {  	[smem:$0x3F22] =	sst s3  }
0xc: {  	[smem:$0x3F23] =	sst s4  }
0xd: {  	[smem:$0x3F24] =	sst s5  }
0xe: {  	[smem:$0x3F25] =	sst s6  }
0xf: {  	[smem:$0x3F26] =	sst s7  }
0x10: {  	[smem:$0x3F27] =	sst s8  }
0x11: {  	[smem:$0x3F28] =	sst s9;
	s0 =	simm.s32 @!p0 $0x0  }
0x12: {  	s1 =	sld [smem:$0x3F0E];
	s0 =	simm.s32 @p0 $0x1  }
0x13: {  	[smem:$0x3F29] =	sst s0;
	s0 =	simm.s32 @!p1 $0x0  }
0x14: {  	s2 =	sld [smem:$0x3F0D];
	s0 =	simm.s32 @p1 $0x1  }
0x15: {  	[smem:$0x3F2A] =	sst s0;
	s0 =	simm.s32 @!p2 $0x0  }
0x16: {  	s3 =	sld [smem:$0x3FDB];
	s0 =	simm.s32 @p2 $0x1  }
0x17: {  	s4 =	simm.s32 $0x1BF5;
	[smem:$0x3F2C] =	sst s0  }
0x18: {  	s0 =	sld [smem:$0x3F0F];
	_ =	swait.ge [sflag:s4], $0x0  }
0x19: {  	s7 =	sld [smem:$0x3F10]  }
0x1a: {  	s8 =	sadd.s32 $0xFFFFE003, lr  }
0x1b: {  	s9 =	sadd.s32 $0xFFFFFEF7, lr;
	s5 =	simm.s32 $0xFFFFFFFF;
	p2 =	slt.u32 s8, $0xFFFFF086  }
0x1c: {  	p1 =	slt.u32 s9, $0xF7A;
	s5 =	simm.s32 @!p2 $0x0  }
0x1d: {  	s5 =	simm.s32 @p1 $0x1;
	p0 =	seq.s32 s7, s2  }
0x1e: {  	s7 =	smul.u32 @!p0 $0xF7A, s2;
	p2 =	seq.s32 @!p0 s5, $0x0  }
0x1f: {  	s9 =	smul.u32 $0xF7A, s1;
	s8 =	simm.s32 @!p0 $0x1BF5;
	p2 =	por !p2, p0  }
0x20: {  	[sflag:s8] =	ssyncset.s32 @!p0 $0xFFFFF086;
	s6 =	sadd.s32 @!p0 s3, s7;
	s7 =	simm.s32 @!p0 $0x108  }
0x21: {  	s3 =	sadd.s32 s3, s9;
	s6 =	sadd.s32 @!p0 $0x88, s6;
	s7 =	simm.s32 @p2 $0x1082  }
0x22: {  	[simem:s7], [sflag:s8] =	dma.local @!p0 [hbm:s6], $0xF7A  }
0x23: {  	s9 =	sor.u32 $0xD0000000, s2;
	s6 =	simm.s32 $0x108;
	_ =	swait.ge @!p0 [sflag:s8], $0x0  }
0x24: {  	s3 =	sadd.s32 $0x88, s3;
	s6 =	simm.s32 @!p1 $0x1082;
	[sflag:s4] =	ssyncset.s32 $0xFFFFF086  }
0x25: {  	[simem:s6], [sflag:s4] =	dma.local [hbm:s3], $0xF7A  }
0x26: {  	[smem:$0x3F10] =	sst s1;
	(tag) =	ssettag s2;
	_ =	strace s9  }
0x27: {  	s1 =	sld [smem:$0x3F20]  }
0x28: {  	s2 =	sld [smem:$0x3F21]  }
0x29: {  	s4 =	sld [smem:$0x3F23]  }
0x2a: {  	p0 =	seq.s32 s5, $0x0;
	s5 =	sld [smem:$0x3F24]  }
0x2b: {  	s6 =	sld [smem:$0x3F25]  }
0x2c: {  	s7 =	sld [smem:$0x3F26]  }
0x2d: {  	s3 =	simm.s32 $0x108;
	s8 =	sld [smem:$0x3F27]  }
0x2e: {  	s3 =	simm.s32 @!p0 $0x1082;
	s9 =	sld [smem:$0x3F28]  }
0x2f: {  	lr =	sadd.s32 s0, s3;
	s0 =	sld [smem:$0x3F1F]  }
0x30: {  	s3 =	sld [smem:$0x3F22]  }
0x31: {  	[smem:$0x3F2B] =	sst s10  }
0x32: {  	s10 =	sld [smem:$0x3F29];
	_ =	sdelay $0x3  }
0x33: {  	p0 =	seq.s32 s10, $0x1;
	s10 =	sld [smem:$0x3F2B];
	_ =	sdelay $0x3  }
0x34: {  	[smem:$0x3F2B] =	sst s10  }
0x35: {  	s10 =	sld [smem:$0x3F2A];
	_ =	sdelay $0x3  }
0x36: {  	p1 =	seq.s32 s10, $0x1;
	s10 =	sld [smem:$0x3F2B];
	_ =	sdelay $0x3  }
0x37: {  	[smem:$0x3F2B] =	sst s10  }
0x38: {  	s10 =	sld [smem:$0x3F2C]  }
0x39: {  	_ = 	snop;
	(pc) =	sbr.ind lr, $3  }
0x3a: {  	_ = 	snop  }
0x3b: {  	_ = 	snop  }
0x3c: {  	p2 =	seq.s32 s10, $0x1;
	s10 =	sld [smem:$0x3F2B]  }
0x3d: {  	_ =	shalt  }
0x3e: {  	_ =	shalt  }
0x3f: {  	_ =	shalt  }
0x40: {  	_ =	shalt  }
0x41: {  	_ =	shalt  }
0x42: {  	_ =	shalt  }
0x43: {  	_ =	shalt  }
0x44: {  	_ =	shalt  }
0x45: {  	_ =	shalt  }
0x46: {  	_ =	shalt  }
0x47: {  	_ =	shalt  }
0x48: {  	_ =	shalt  }
0x49: {  	_ =	shalt  }
0x4a: {  	_ =	shalt  }
0x4b: {  	_ =	shalt  }
0x4c: {  	_ =	shalt  }
0x4d: {  	_ =	shalt  }
0x4e: {  	_ =	shalt  }
0x4f: {  	_ =	shalt  }
0x50: {  	_ =	shalt  }
0x51: {  	_ =	shalt  }
0x52: {  	_ =	shalt  }
0x53: {  	_ =	shalt  }
0x54: {  	_ =	shalt  }
0x55: {  	_ =	shalt  }
0x56: {  	_ =	shalt  }
0x57: {  	_ =	shalt  }
0x58: {  	_ =	shalt  }
0x59: {  	_ =	shalt  }
0x5a: {  	_ =	shalt  }
0x5b: {  	_ =	shalt  }
0x5c: {  	_ =	shalt  }
0x5d: {  	_ =	shalt  }
0x5e: {  	_ =	shalt  }
0x5f: {  	_ =	shalt  }
0x60: {  	_ =	shalt  }
0x61: {  	_ =	shalt  }
0x62: {  	_ =	shalt  }
0x63: {  	_ =	shalt  }
0x64: {  	_ =	shalt  }
0x65: {  	_ =	shalt  }
0x66: {  	_ =	shalt  }
0x67: {  	_ =	shalt  }
0x68: {  	_ =	shalt  }
0x69: {  	_ =	shalt  }
0x6a: {  	_ =	shalt  }
0x6b: {  	_ =	shalt  }
0x6c: {  	_ =	shalt  }
0x6d: {  	_ =	shalt  }
0x6e: {  	_ =	shalt  }
0x6f: {  	_ =	shalt  }
0x70: {  	_ =	shalt  }
0x71: {  	_ =	shalt  }
0x72: {  	_ =	shalt  }
0x73: {  	_ =	shalt  }
0x74: {  	_ =	shalt  }
0x75: {  	_ =	shalt  }
0x76: {  	_ =	shalt  }
0x77: {  	_ =	shalt  }
0x78: {  	_ =	shalt  }
0x79: {  	_ =	shalt  }
0x7a: {  	_ =	shalt  }
0x7b: {  	_ =	shalt  }
0x7c: {  	_ =	shalt  }
0x7d: {  	_ =	shalt  }
0x7e: {  	_ =	shalt  }
0x7f: {  	_ =	shalt  }
0x80: {  	_ =	shalt  }
0x81: {  	_ =	shalt  }
0x82: {  	_ =	shalt  }
0x83: {  	_ =	shalt  }
0x84: {  	_ =	shalt  }
0x85: {  	_ =	shalt  }
0x86: {  	_ =	shalt  }
0x87: {  	_ =	shalt  }
.Lfunc_end0:
.L_simem_size_0:
called_computation.1_lowered:
.L_overlay_start_0:
0x88: {  	s2 =	sld [smem:$0x3FD9]  }
0x89: {  	s3 =	sld [smem:$0x3FFE];
	_ =	sdelay $0x1  }
0x8a: {  	s1 =	srdreg.scid  }
0x8b: {  	s0 =	sand.u32 $0x1, s1  }
0x8c: {  	s16 =	sshll.u32 s0, $0xA;
	s2 =	sadd.s32 s3, s2  }
0x8d: {  	s2 =	sadd.s32 s2, s16  }
0x8e: {  	[smem:$0x3F37] =	sst s2  }
0x8f: {  	_ = 	snop  }
0x90: {  	(tm) =	ssettm $0x1  }
0x91: {  	s17 =	sld [smem:$0x3FFB];
	_ =	sdelay $0x3  }
0x92: {  	_ =	strace s17  }
0x93: {  	s2 =	sld [smem:$0x3FFC];
	_ =	sdelay $0x3  }
0x94: {  	_ =	strace s2  }
0x95: {  	s2 =	sld [smem:$0x3FFD];
	_ =	sdelay $0x3  }
0x96: {  	_ =	strace s2  }
0x97: {  	_ =	strace $0x8FFFFFFF  }
0x98: {  	s18 =	sld [smem:$0x3FDB];
	_ =	sdelay $0x1  }
0x99: {  	s19 =	simm.s32 $_scs_section_size  }
0x9a: {  	s4 =	simm.s32 $_size__tile_overlayer_lowered;
	s5 =	simm.s32 $_tile_overlayer_lowered  }
0x9b: {  	s22 =	simm.s32 $0x1BFF;
	s21 =	sshll.u32 s5, $0x1;
	s2 =	sadd.s32 s19, s18  }
0x9c: {  	s6 =	simm.s32 $0x0;
	s20 =	sshll.u32 s4, $0x1;
	s4 =	sadd.s32 s21, s2  }
0x9d: {  	[timem:s6], [sflag:s22] =	dma.local [hbm:s4], s20  }
0x9e: {  	_ =	swait.ge [sflag:s22], s20  }
0x9f: {  	s3 =	ssub.s32 $0x0, s20;
	[sflag:s22] =	ssyncset.done $0x0  }
0xa0: {  	[sflag:s22] =	ssyncadd.s32 s3;
	_ =	sdelay $0x1  }
0xa1: {  	s23 =	simm.s32 $0x1B8B  }
0xa2: {  	_ =	swait.ge [sflag:s23], $0x1  }
0xa3: {  	[sflag:s23] =	ssyncset.done $0x0  }
0xa4: {  	s25 =	simm.s32 $0x1B8E;
	s24 =	sld [smem:$0x3FFE];
	[sflag:s23] =	ssyncadd.s32 $0xFFFFFFFF  }
0xa5: {  	s26 =	simm.s32 $execute0_lowered;
	[smem:$0x3FD2] =	sst s25  }
0xa6: {  	s4 =	sshll.u32 s26, $0x1;
	_ =	strace $0x80000049;
	[dreg:$0x1] =	wrdreg $0xFFFFFFFF  }
0xa7: {  	s28 =	simm.s32 $_size_execute0_lowered;
	s2 =	sadd.s32 s2, s4;
	[dreg:$0x0] =	wrdreg $0x0  }
0xa8: {  	s4 =	sshll.u32 s28, $0x1;
	[dreg:$0x2] =	wrdreg s2  }
0xa9: {  	[dreg:$0x3] =	wrdreg s4  }
0xaa: {  	[dreg:$0x4] =	wrdreg $0xC0  }
0xab: {  	_ =	task [dreg:s6], $0x5FFFF  }
0xac: {  	[dreg:$0x1] =	wrdreg $0xFFFFFFFF  }
0xad: {  	[dreg:$0x0] =	wrdreg $0x60  }
0xae: {  	[dreg:$0x2] =	wrdreg s24  }
0xaf: {  	[dreg:$0x3] =	wrdreg $0x9  }
0xb0: {  	_ =	task.clear_ibuf [dreg:s6], $0x4FFFF;
	_ =	strace $0x90000049  }
0xb1: {  	s29 =	simm.s32 $0x9;
	_ =	strace $0x8000004B  }
0xb2: {  	_ =	swait.ge [sflag:s29], $0x1  }
0xb3: {  	[sflag:s29] =	ssyncadd.s32 $0xFFFFFFFF  }
0xb4: {  	_ =	strace $0x9000004B  }
0xb5: {  	_ =	sfence  }
0xb6: {  	s30 =	sld [smem:$0x0];
	_ =	sdelay $0x2  }
0xb7: {  	s31 =	sshll.u32 s1, $0xD;
	s1 =	sshrl.u32 s1, $0x2  }
0xb8: {  	s3 =	sand.u32 $0x4000, s31;
	s1 =	sadd.s32 s1, s30  }
0xb9: {  	s0 =	sor.u32 s3, s0;
	s1 =	sshll.u32 s1, $0x11  }
0xba: {  	s0 =	sor.u32 s1, s0  }
0xbb: {  	s0 =	sadd.s32 $0x8F2B, s0  }
0xbc: {  	[sflag:s0] =	ssyncadd.remote.s32 $0x1  }
0xbd: {  	_ =	sfence.sel $0xFFFF  }
0xbe: {  	[dreg:$0x0] =	wrdreg $0xFFFFFFFF;
	(pc) =	sbr.abs _section_cstart, $3  }
0xbf: {  	[dreg:$0x1] =	wrdreg $0xFFFFFFFF  }
0xc0: {  	_ =	task.clear_ibuf [dreg:s6], $0x2FFFF;
	_ =	strace $0x9FFFFFFF  }
0xc1: {  	(tm) =	ssettm $0x7FFFFFFF  }
tec
execute0_lowered:
.L_overlay_start_1:
0x0: {  	(tag) =	ssettag $0x1  }
0x1: {  	s2 =	rddreg [dreg:$0x0]  }
0x2: {  	s0 =	rddreg [dreg:$0x1]  }
0x3: {  	s1 =	srdreg.scid;
	_ =	strace $0x8000004A;
	s4 =	simm.s32 $0x1  }
0x4: {  	s9 =	simm.s32 $0x3;
	s12 =	simm.s32 $0x0;
	s5 =	sshll.u32 s1, $0x4  }
.Ltmp0:
0x5: {  	s1 =	stileid.u32;
	s5 =	sand.u32 $0x10, s5;
	(pc) =	sbr.rel .LBB2_1-.Ltmp0, $4  }
0x6: {  	s10 =	simm.s32 $0x0;
	s3 =	sadd.s32 $0x58C00, s2;
	s6 =	sor.u32 s1, s5  }
0x7: {  	[sflag:s4] =	ssyncpa.u1 $0x0;
	s5 =	simm.s32 $0x2;
	s6 =	sshll.u32 s6, $0x6  }
0x8: {  	s7 =	sadd.s32 $0x61000, s2;
	[sflag:s5] =	ssyncpa.u1 $0x0;
	s8 =	sadd.s32 $0x40, s6  }
0x9: {  	vm0 =	vmmov $0xff;
	vm1 =	vcmask $0x3F20;
	[sflag:s9] =	ssyncpa.u1 $0x0;
	s9 =	simm.s32 $0x40;
	s11 =	smov.u32 s6  }
.LBB2_9:
0xa: {  	p0 =	seq.s32 s10, $0x2  }
.Ltmp1:
0xb: {  	_ = 	snop;
	(pc) =	sbr.rel @p0 .LBB2_11-.Ltmp1, $1  }
0xc: {  	_ =	sdelay $0x3  }
.LBB2_10:
0xd: {  	s12 =	sadd.s32 $0x40, s11  }
0xe: {  	s13 =	smov.u32 s6;
	p0 =	slt.s32 s12, s8  }
0xf: {  	s13 =	smov.u32 @p0 s12  }
0x10: {  	s10 =	sadd.s32 $0x1, s10;
	s12 =	smov.u32 s11;
	s11 =	smov.u32 s13  }
.LBB2_1:
0x11: {  	p0 =	sne.s32 s10, $0x0  }
.Ltmp2:
0x12: {  	_ = 	snop;
	(pc) =	sbr.rel @!p0 .LBB2_2-.Ltmp2, $1  }
0x13: {  	_ =	sdelay $0x3  }
0x14: {  	s13 =	sand.u32 $0x1, s10  }
0x15: {  	p0 =	seq.s32 s13, $0x0  }
.Ltmp3:
0x16: {  	_ = 	snop;
	(pc) =	sbr.rel @p0 .LBB2_9-.Ltmp3, $1  }
0x17: {  	_ =	sdelay $0x3  }
0x18: {  	_ =	swait.ge [sflag:s5], $0x40  }
0x19: {  	[sflag:s5] =	ssyncset.done $0x0  }
0x1a: {  	s13 =	simm.s32 $0x0;
	[sflag:s5] =	ssyncadd.s32 $0xFFFFFFC0  }
0x1b: {  	v0 =	vld.msk [tilespmem:s13+$0x40 ss:$0x1], $0xffff;
	_ =	sdelay $0x4  }
0x1c: {  	v1 =	vshll.u32 v0, $0x5  }
0x1d: {  	vm2 =	veq.s32 v0, $0x80000000;
	v0 =	vshll.u32 v0, $0x12;
	v1 =	vand.u32 $0x3FF80, v1  }
0x1e: {  	v0 =	vand.u32 $0xC0000, v0;
	v1 =	vsel vm2, $0xFFFFFF80, v1  }
0x1f: {  	v0 =	vsel vm2, $0xFFFC0000, v0;
	v2 =	vand.u32 $0xFFFFFC00, v1  }
0x20: {  	v1 =	vand.u32 $0x380, v1;
	v0 =	vadd.s32 v0, v2  }
0x21: {  	v0 =	vor.u32 v1, v0  }
0x22: {  	v0 =	vshrl.u32 v0, $0x3;
	_ =	sdelay $0x3  }
0x23: {  	s13 =	simm.s32 $0x2080  }
0x24: {  	[tilespmem:s13], [sflag:$0x1] =	stream.indirect_vreg.gather [hbm:s2], $0x80, v0, vm0, $0x38;
	[tilespmem:$0x4080] =	vst v63  }
0x25: {  	s14 =	simm.s32 $0x2480;
	s31 =	simm.s32 $0x10  }
0x26: {  	[tilespmem:s14], [sflag:$0x1] =	stream.indirect_vreg.gather [hbm:s2], $0x80, v0, vm1, $0x38;
	[tilespmem:$0x4080] =	vst v63  }
0x27: {  	s14 =	simm.s32 $0x80;
	v0 =	vld.msk [tilespmem:s31+$0x40 ss:$0x1], $0xffff  }
.LBB2_5:
0x28: {  	p0 =	sne.s32 s14, $0xC0;
	_ =	sdelay $0x4  }
0x29: {  	v1 =	vshll.u32 v0, $0x5  }
0x2a: {  	vm2 =	veq.s32 v0, $0x80000000;
	v0 =	vshll.u32 v0, $0x12;
	v1 =	vand.u32 $0x3FF80, v1  }
0x2b: {  	v0 =	vand.u32 $0xC0000, v0;
	v1 =	vsel vm2, $0xFFFFFF80, v1  }
0x2c: {  	v0 =	vsel vm2, $0xFFFC0000, v0;
	v2 =	vand.u32 $0xFFFFFC00, v1  }
0x2d: {  	v1 =	vand.u32 $0x380, v1;
	v0 =	vadd.s32 v0, v2  }
0x2e: {  	v0 =	vor.u32 v1, v0  }
0x2f: {  	v0 =	vshrl.u32 v0, $0x3;
	_ =	sdelay $0x3  }
.Ltmp4:
0x30: {  	s13 =	sadd.s32 $0x800, s13;
	(pc) =	sbr.rel @p0 .LBB2_5-.Ltmp4, $4  }
0x31: {  	[tilespmem:s13], [sflag:$0x1] =	stream.indirect_vreg.gather [hbm:s2], $0x80, v0, vm0, $0x38;
	[tilespmem:$0x4080] =	vst v63  }
0x32: {  	s15 =	sshra.s32 s14, $0x2;
	s16 =	sadd.s32 $0x400, s13  }
0x33: {  	[tilespmem:s16], [sflag:$0x1] =	stream.indirect_vreg.gather [hbm:s2], $0x80, v0, vm1, $0x38;
	[tilespmem:$0x4080] =	vst v63  }
0x34: {  	s14 =	sadd.s32 $0x40, s14;
	v0 =	vld.msk [tilespmem:s15+$0x40 ss:$0x1], $0xffff  }
0x35: {  	_ =	sdelay $0x3  }
0x36: {  	v1 =	vshll.u32 v0, $0x5  }
0x37: {  	vm2 =	veq.s32 v0, $0x80000000;
	v63 =	vshll.u32 v0, $0x12;
	v1 =	vand.u32 $0x3FF80, v1  }
0x38: {  	v0 =	vand.u32 $0xC0000, v63;
	v1 =	vsel vm2, $0xFFFFFF80, v1  }
0x39: {  	v0 =	vsel vm2, $0xFFFC0000, v0;
	v2 =	vand.u32 $0xFFFFFC00, v1  }
0x3a: {  	v1 =	vand.u32 $0x380, v1;
	v0 =	vadd.s32 v0, v2  }
0x3b: {  	v0 =	vor.u32 v1, v0  }
0x3c: {  	v0 =	vshrl.u32 v0, $0x3;
	_ =	sdelay $0x3  }
0x3d: {  	s13 =	sadd.s32 $0x800, s13  }
0x3e: {  	[tilespmem:s13], [sflag:$0x1] =	stream.indirect_vreg.gather [hbm:s2], $0x80, v0, vm0, $0x38;
	[tilespmem:$0x4080] =	vst v63  }
0x3f: {  	s13 =	sadd.s32 $0x400, s13  }
0x40: {  	[tilespmem:s13], [sflag:$0x1] =	stream.indirect_vreg.gather [hbm:s2], $0x80, v0, vm1, $0x38;
	[tilespmem:$0x4080] =	vst v63  }
0x41: {  	s12 =	sshll.u32 s12, $0x4;
	s14 =	simm.s32 $0x80;
	_ =	swait.ge [sflag:s4], $0x2000  }
0x42: {  	s15 =	simm.s32 $0x2480;
	s12 =	sadd.s32 s12, s7;
	[sflag:s4] =	ssyncset.done $0x0  }
0x43: {  	s16 =	sadd.s32 $0x0, s12;
	s13 =	simm.s32 $0x2080;
	[sflag:s4] =	ssyncadd.s32 $0xFFFFE000  }
.LBB2_7:
0x44: {  	[hbm:s16] =	stream.linear.scatter [tilespmem:s13], [sflag:$0x3], $0x400, $0x38;
	[tilespmem:$0x4080] =	vst v63  }
0x45: {  	s16 =	smov.u32 s14;
	s13 =	smov.u32 s15;
	p0 =	sne.s32 s14, $0x380  }
.Ltmp5:
0x46: {  	s14 =	sadd.s32 $0x80, s14;
	(pc) =	sbr.rel @p0 .LBB2_7-.Ltmp5, $2  }
0x47: {  	_ =	sdelay $0x2  }
0x48: {  	s15 =	sadd.s32 $0x400, s15;
	s16 =	sadd.s32 s16, s12  }
.Ltmp6:
0x49: {  	(pc) =	sbr.rel .LBB2_9-.Ltmp6, $2  }
0x4a: {  	_ =	sdelay $0x2  }
0x4b: {  	[hbm:s16] =	stream.linear.scatter [tilespmem:s13], [sflag:$0x3], $0x400, $0x38;
	[tilespmem:$0x4080] =	vst v63  }
.LBB2_2:
.Ltmp7:
0x4c: {  	(pc) =	sbr.rel .LBB2_10-.Ltmp7, $4  }
0x4d: {  	_ = 	snop  }
0x4e: {  	s12 =	sshrl.u32 s11, $0x3  }
0x4f: {  	s13 =	sand.u32 $0x7, s11;
	s12 =	sadd.s32 s3, s12  }
0x50: {  	[tilespmem:s9], [sflag:$0x2] =	stream.linear.gather [hbm4b:s12+s13], $0x40, $0x38;
	[tilespmem:$0x4080] =	vst v63  }
.LBB2_11:
0x51: {  	s2 =	simm.s32 $0x3  }
0x52: {  	_ =	swait.ge [sflag:s2], $0x2000  }
0x53: {  	[sflag:s2] =	ssyncset.done $0x0  }
0x54: {  	[sflag:s2] =	ssyncadd.s32 $0xFFFFE000  }
0x55: {  	_ =	sfence.sel $0x180000  }
0x56: {  	s3 =	simm.s32 $0x2;
	[bflag:$0x0] =	sbarrier.arrive $0xFFFF  }
0x57: {  	[sflag:s3] =	ssyncpa.u1 $0x1  }
0x58: {  	s31 =	simm.s32 $0x1;
	[sflag:s2] =	ssyncpa.u1 $0x1  }
0x59: {  	[sflag:s31] =	ssyncpa.u1 $0x1  }
0x5a: {  	p0 =	sne.s32 s1, $0x0;
	_ =	strace $0x9000004A  }
0x5b: {  	s0 =	sadd.s32 @!p0 $0x100000, s0;
	[bflag:$0x2] =	sbarrier.arrive $0xFFFF  }
0x5c: {  	[sflag:s0] =	ssyncadd.tile.s32 @!p0 $0x1;
	_ =	shalt  }
.Lfunc_end2:
_tile_overlayer_lowered:
.L_overlay_start_2:
0x5d: {  	(tag) =	ssettag $0x2  }
0x5e: {  	s0 =	rddreg [dreg:$0x0];
	s2 =	stileid.u32  }
0x5f: {  	s1 =	rddreg [dreg:$0x1];
	p0 =	sne.s32 s2, $0x0  }
0x60: {  	s3 =	rddreg [dreg:$0x2];
	[bflag:$0x3] =	sbarrier.arrive $0xFFFF;
	s2 =	simm.s32 @!p0 $0x1C01  }
0x61: {  	[timem:s3], [sflag:s2] =	dma.local @!p0 [hbm:s0], s1  }
0x62: {  	s0 =	simm.s32 @!p0 $0x1  }
0x63: {  	_ =	swait.ge @!p0 [sflag:s0], s1  }
0x64: {  	s1 =	ssub.s32 @!p0 $0x0, s1;
	[sflag:s0] =	ssyncset.done @!p0 $0x0  }
0x65: {  	[sflag:s0] =	ssyncadd.s32 @!p0 s1  }
0x66: {  	[bflag:$0x3] =	sbarrier.arrive $0xFFFF  }
0x67: {  	_ =	shalt  }

// kernel: gather_offload_async_start
scs
__scs_entry_jumppad:
0x0: {  	(pc) =	sbr.rel $0x88, $3  }
0x1: {  	(tag) =	ssettag $0x0;
	lr =	simm.s32 $0x1  }
0x2: {  	[smem:$0x3F10] =	sst lr;
	_ =	strace $0xD0000000  }
0x3: {  	_ = 	snop  }
0x4: {  	_ = 	snop  }
0x5: {  	_ = 	snop  }
0x6: {  	_ = 	snop  }
0x7: {  	_ = 	snop  }
__scs_overlays_trampoline_lowered:
0x8: {  	[smem:$0x3F1F] =	sst s0  }
0x9: {  	[smem:$0x3F20] =	sst s1  }
0xa: {  	[smem:$0x3F21] =	sst s2  }
0xb: {  	[smem:$0x3F22] =	sst s3  }
0xc: {  	[smem:$0x3F23] =	sst s4  }
0xd: {  	[smem:$0x3F24] =	sst s5  }
0xe: {  	[smem:$0x3F25] =	sst s6  }
0xf: {  	[smem:$0x3F26] =	sst s7  }
0x10: {  	[smem:$0x3F27] =	sst s8  }
0x11: {  	[smem:$0x3F28] =	sst s9;
	s0 =	simm.s32 @!p0 $0x0  }
0x12: {  	s1 =	sld [smem:$0x3F0E];
	s0 =	simm.s32 @p0 $0x1  }
0x13: {  	[smem:$0x3F29] =	sst s0;
	s0 =	simm.s32 @!p1 $0x0  }
0x14: {  	s2 =	sld [smem:$0x3F0D];
	s0 =	simm.s32 @p1 $0x1  }
0x15: {  	[smem:$0x3F2A] =	sst s0;
	s0 =	simm.s32 @!p2 $0x0  }
0x16: {  	s3 =	sld [smem:$0x3FDB];
	s0 =	simm.s32 @p2 $0x1  }
0x17: {  	s4 =	simm.s32 $0x1BF5;
	[smem:$0x3F2C] =	sst s0  }
0x18: {  	s0 =	sld [smem:$0x3F0F];
	_ =	swait.ge [sflag:s4], $0x0  }
0x19: {  	s7 =	sld [smem:$0x3F10]  }
0x1a: {  	s8 =	sadd.s32 $0xFFFFE003, lr  }
0x1b: {  	s9 =	sadd.s32 $0xFFFFFEF7, lr;
	s5 =	simm.s32 $0xFFFFFFFF;
	p2 =	slt.u32 s8, $0xFFFFF086  }
0x1c: {  	p1 =	slt.u32 s9, $0xF7A;
	s5 =	simm.s32 @!p2 $0x0  }
0x1d: {  	s5 =	simm.s32 @p1 $0x1;
	p0 =	seq.s32 s7, s2  }
0x1e: {  	s7 =	smul.u32 @!p0 $0xF7A, s2;
	p2 =	seq.s32 @!p0 s5, $0x0  }
0x1f: {  	s9 =	smul.u32 $0xF7A, s1;
	s8 =	simm.s32 @!p0 $0x1BF5;
	p2 =	por !p2, p0  }
0x20: {  	[sflag:s8] =	ssyncset.s32 @!p0 $0xFFFFF086;
	s6 =	sadd.s32 @!p0 s3, s7;
	s7 =	simm.s32 @!p0 $0x108  }
0x21: {  	s3 =	sadd.s32 s3, s9;
	s6 =	sadd.s32 @!p0 $0x88, s6;
	s7 =	simm.s32 @p2 $0x1082  }
0x22: {  	[simem:s7], [sflag:s8] =	dma.local @!p0 [hbm:s6], $0xF7A  }
0x23: {  	s9 =	sor.u32 $0xD0000000, s2;
	s6 =	simm.s32 $0x108;
	_ =	swait.ge @!p0 [sflag:s8], $0x0  }
0x24: {  	s3 =	sadd.s32 $0x88, s3;
	s6 =	simm.s32 @!p1 $0x1082;
	[sflag:s4] =	ssyncset.s32 $0xFFFFF086  }
0x25: {  	[simem:s6], [sflag:s4] =	dma.local [hbm:s3], $0xF7A  }
0x26: {  	[smem:$0x3F10] =	sst s1;
	(tag) =	ssettag s2;
	_ =	strace s9  }
0x27: {  	s1 =	sld [smem:$0x3F20]  }
0x28: {  	s2 =	sld [smem:$0x3F21]  }
0x29: {  	s4 =	sld [smem:$0x3F23]  }
0x2a: {  	p0 =	seq.s32 s5, $0x0;
	s5 =	sld [smem:$0x3F24]  }
0x2b: {  	s6 =	sld [smem:$0x3F25]  }
0x2c: {  	s7 =	sld [smem:$0x3F26]  }
0x2d: {  	s3 =	simm.s32 $0x108;
	s8 =	sld [smem:$0x3F27]  }
0x2e: {  	s3 =	simm.s32 @!p0 $0x1082;
	s9 =	sld [smem:$0x3F28]  }
0x2f: {  	lr =	sadd.s32 s0, s3;
	s0 =	sld [smem:$0x3F1F]  }
0x30: {  	s3 =	sld [smem:$0x3F22]  }
0x31: {  	[smem:$0x3F2B] =	sst s10  }
0x32: {  	s10 =	sld [smem:$0x3F29];
	_ =	sdelay $0x3  }
0x33: {  	p0 =	seq.s32 s10, $0x1;
	s10 =	sld [smem:$0x3F2B];
	_ =	sdelay $0x3  }
0x34: {  	[smem:$0x3F2B] =	sst s10  }
0x35: {  	s10 =	sld [smem:$0x3F2A];
	_ =	sdelay $0x3  }
0x36: {  	p1 =	seq.s32 s10, $0x1;
	s10 =	sld [smem:$0x3F2B];
	_ =	sdelay $0x3  }
0x37: {  	[smem:$0x3F2B] =	sst s10  }
0x38: {  	s10 =	sld [smem:$0x3F2C]  }
0x39: {  	_ = 	snop;
	(pc) =	sbr.ind lr, $3  }
0x3a: {  	_ = 	snop  }
0x3b: {  	_ = 	snop  }
0x3c: {  	p2 =	seq.s32 s10, $0x1;
	s10 =	sld [smem:$0x3F2B]  }
0x3d: {  	_ =	shalt  }
0x3e: {  	_ =	shalt  }
0x3f: {  	_ =	shalt  }
0x40: {  	_ =	shalt  }
0x41: {  	_ =	shalt  }
0x42: {  	_ =	shalt  }
0x43: {  	_ =	shalt  }
0x44: {  	_ =	shalt  }
0x45: {  	_ =	shalt  }
0x46: {  	_ =	shalt  }
0x47: {  	_ =	shalt  }
0x48: {  	_ =	shalt  }
0x49: {  	_ =	shalt  }
0x4a: {  	_ =	shalt  }
0x4b: {  	_ =	shalt  }
0x4c: {  	_ =	shalt  }
0x4d: {  	_ =	shalt  }
0x4e: {  	_ =	shalt  }
0x4f: {  	_ =	shalt  }
0x50: {  	_ =	shalt  }
0x51: {  	_ =	shalt  }
0x52: {  	_ =	shalt  }
0x53: {  	_ =	shalt  }
0x54: {  	_ =	shalt  }
0x55: {  	_ =	shalt  }
0x56: {  	_ =	shalt  }
0x57: {  	_ =	shalt  }
0x58: {  	_ =	shalt  }
0x59: {  	_ =	shalt  }
0x5a: {  	_ =	shalt  }
0x5b: {  	_ =	shalt  }
0x5c: {  	_ =	shalt  }
0x5d: {  	_ =	shalt  }
0x5e: {  	_ =	shalt  }
0x5f: {  	_ =	shalt  }
0x60: {  	_ =	shalt  }
0x61: {  	_ =	shalt  }
0x62: {  	_ =	shalt  }
0x63: {  	_ =	shalt  }
0x64: {  	_ =	shalt  }
0x65: {  	_ =	shalt  }
0x66: {  	_ =	shalt  }
0x67: {  	_ =	shalt  }
0x68: {  	_ =	shalt  }
0x69: {  	_ =	shalt  }
0x6a: {  	_ =	shalt  }
0x6b: {  	_ =	shalt  }
0x6c: {  	_ =	shalt  }
0x6d: {  	_ =	shalt  }
0x6e: {  	_ =	shalt  }
0x6f: {  	_ =	shalt  }
0x70: {  	_ =	shalt  }
0x71: {  	_ =	shalt  }
0x72: {  	_ =	shalt  }
0x73: {  	_ =	shalt  }
0x74: {  	_ =	shalt  }
0x75: {  	_ =	shalt  }
0x76: {  	_ =	shalt  }
0x77: {  	_ =	shalt  }
0x78: {  	_ =	shalt  }
0x79: {  	_ =	shalt  }
0x7a: {  	_ =	shalt  }
0x7b: {  	_ =	shalt  }
0x7c: {  	_ =	shalt  }
0x7d: {  	_ =	shalt  }
0x7e: {  	_ =	shalt  }
0x7f: {  	_ =	shalt  }
0x80: {  	_ =	shalt  }
0x81: {  	_ =	shalt  }
0x82: {  	_ =	shalt  }
0x83: {  	_ =	shalt  }
0x84: {  	_ =	shalt  }
0x85: {  	_ =	shalt  }
0x86: {  	_ =	shalt  }
0x87: {  	_ =	shalt  }
.Lfunc_end0:
.L_simem_size_0:
called_computation_lowered:
.L_overlay_start_0:
0x88: {  	s2 =	sld [smem:$0x3FD9]  }
0x89: {  	s3 =	sld [smem:$0x3FFE];
	_ =	sdelay $0x1  }
0x8a: {  	s1 =	srdreg.scid  }
0x8b: {  	s0 =	sand.u32 $0x1, s1  }
0x8c: {  	s16 =	sshll.u32 s0, $0xA;
	s2 =	sadd.s32 s3, s2  }
0x8d: {  	s2 =	sadd.s32 s2, s16  }
0x8e: {  	[smem:$0x3F37] =	sst s2  }
0x8f: {  	_ = 	snop  }
0x90: {  	(tm) =	ssettm $0x1  }
0x91: {  	s17 =	sld [smem:$0x3FFB];
	_ =	sdelay $0x3  }
0x92: {  	_ =	strace s17  }
0x93: {  	s2 =	sld [smem:$0x3FFC];
	_ =	sdelay $0x3  }
0x94: {  	_ =	strace s2  }
0x95: {  	s2 =	sld [smem:$0x3FFD];
	_ =	sdelay $0x3  }
0x96: {  	_ =	strace s2  }
0x97: {  	_ =	strace $0x8FFFFFFF  }
0x98: {  	s18 =	sld [smem:$0x3FDB];
	_ =	sdelay $0x1  }
0x99: {  	s19 =	simm.s32 $_scs_section_size  }
0x9a: {  	s4 =	simm.s32 $_size__tile_overlayer_lowered;
	s5 =	simm.s32 $_tile_overlayer_lowered  }
0x9b: {  	s22 =	simm.s32 $0x1BFF;
	s21 =	sshll.u32 s5, $0x1;
	s2 =	sadd.s32 s19, s18  }
0x9c: {  	s6 =	simm.s32 $0x0;
	s20 =	sshll.u32 s4, $0x1;
	s4 =	sadd.s32 s21, s2  }
0x9d: {  	[timem:s6], [sflag:s22] =	dma.local [hbm:s4], s20  }
0x9e: {  	_ =	swait.ge [sflag:s22], s20  }
0x9f: {  	s3 =	ssub.s32 $0x0, s20;
	[sflag:s22] =	ssyncset.done $0x0  }
0xa0: {  	[sflag:s22] =	ssyncadd.s32 s3;
	_ =	sdelay $0x1  }
0xa1: {  	s23 =	simm.s32 $0x1B8B  }
0xa2: {  	_ =	swait.ge [sflag:s23], $0x1  }
0xa3: {  	[sflag:s23] =	ssyncset.done $0x0  }
0xa4: {  	s25 =	simm.s32 $0x1B8E;
	s24 =	sld [smem:$0x3FFE];
	[sflag:s23] =	ssyncadd.s32 $0xFFFFFFFF  }
0xa5: {  	s26 =	simm.s32 $execute0_lowered;
	[smem:$0x3FD2] =	sst s25  }
0xa6: {  	s4 =	sshll.u32 s26, $0x1;
	_ =	strace $0x80000046;
	[dreg:$0x1] =	wrdreg $0xFFFFFFFF  }
0xa7: {  	s28 =	simm.s32 $_size_execute0_lowered;
	s2 =	sadd.s32 s2, s4;
	[dreg:$0x0] =	wrdreg $0x0  }
0xa8: {  	s4 =	sshll.u32 s28, $0x1;
	[dreg:$0x2] =	wrdreg s2  }
0xa9: {  	[dreg:$0x3] =	wrdreg s4  }
0xaa: {  	[dreg:$0x4] =	wrdreg $0xC0  }
0xab: {  	_ =	task [dreg:s6], $0x5FFFF  }
0xac: {  	[dreg:$0x1] =	wrdreg $0xFFFFFFFF  }
0xad: {  	[dreg:$0x0] =	wrdreg $0x60  }
0xae: {  	[dreg:$0x2] =	wrdreg s24  }
0xaf: {  	[dreg:$0x3] =	wrdreg $0x9  }
0xb0: {  	_ =	task.clear_ibuf [dreg:s6], $0x4FFFF;
	_ =	strace $0x90000046  }
0xb1: {  	s29 =	simm.s32 $0x9;
	_ =	strace $0x80000048  }
0xb2: {  	_ =	swait.ge [sflag:s29], $0x1  }
0xb3: {  	[sflag:s29] =	ssyncadd.s32 $0xFFFFFFFF  }
0xb4: {  	_ =	strace $0x90000048  }
0xb5: {  	_ =	sfence  }
0xb6: {  	s30 =	sld [smem:$0x0];
	_ =	sdelay $0x2  }
0xb7: {  	s31 =	sshll.u32 s1, $0xD;
	s1 =	sshrl.u32 s1, $0x2  }
0xb8: {  	s3 =	sand.u32 $0x4000, s31;
	s1 =	sadd.s32 s1, s30  }
0xb9: {  	s0 =	sor.u32 s3, s0;
	s1 =	sshll.u32 s1, $0x11  }
0xba: {  	s0 =	sor.u32 s1, s0  }
0xbb: {  	s0 =	sadd.s32 $0x8F2B, s0  }
0xbc: {  	[sflag:s0] =	ssyncadd.remote.s32 $0x1  }
0xbd: {  	_ =	sfence.sel $0xFFFF  }
0xbe: {  	[dreg:$0x0] =	wrdreg $0xFFFFFFFF;
	(pc) =	sbr.abs _section_cstart, $3  }
0xbf: {  	[dreg:$0x1] =	wrdreg $0xFFFFFFFF  }
0xc0: {  	_ =	task.clear_ibuf [dreg:s6], $0x2FFFF;
	_ =	strace $0x9FFFFFFF  }
0xc1: {  	(tm) =	ssettm $0x7FFFFFFF  }
tec
execute0_lowered:
.L_overlay_start_1:
0x0: {  	(tag) =	ssettag $0x1  }
0x1: {  	s7 =	rddreg [dreg:$0x0]  }
0x2: {  	s0 =	rddreg [dreg:$0x1];
	_ =	strace $0x80000047  }
0x3: {  	s1 =	srdreg.scid;
	s4 =	simm.s32 $0x1;
	s9 =	simm.s32 $0x3  }
0x4: {  	s12 =	simm.s32 $0x0;
	s10 =	simm.s32 $0x0;
	s5 =	sshll.u32 s1, $0x4  }
.Ltmp0:
0x5: {  	s1 =	stileid.u32;
	s5 =	sand.u32 $0x10, s5;
	(pc) =	sbr.rel .LBB2_1-.Ltmp0, $4  }
0x6: {  	s2 =	sadd.s32 $0x20200, s7;
	s3 =	sadd.s32 $0x20000, s7;
	s6 =	sor.u32 s1, s5  }
0x7: {  	[sflag:s4] =	ssyncpa.u1 $0x0;
	s5 =	simm.s32 $0x2;
	s6 =	sshll.u32 s6, $0x6  }
0x8: {  	s7 =	sadd.s32 $0x40C00, s7;
	[sflag:s5] =	ssyncpa.u1 $0x0;
	s8 =	sadd.s32 $0x40, s6  }
0x9: {  	vm0 =	vmmov $0xff;
	vm1 =	vcmask $0x3F20;
	[sflag:s9] =	ssyncpa.u1 $0x0;
	s9 =	simm.s32 $0x40;
	s11 =	smov.u32 s6  }
.LBB2_9:
0xa: {  	p0 =	seq.s32 s10, $0x2  }
.Ltmp1:
0xb: {  	_ = 	snop;
	(pc) =	sbr.rel @p0 .LBB2_11-.Ltmp1, $1  }
0xc: {  	_ =	sdelay $0x3  }
.LBB2_10:
0xd: {  	s12 =	sadd.s32 $0x40, s11  }
0xe: {  	s13 =	smov.u32 s6;
	p0 =	slt.s32 s12, s8  }
0xf: {  	s13 =	smov.u32 @p0 s12  }
0x10: {  	s10 =	sadd.s32 $0x1, s10;
	s12 =	smov.u32 s11;
	s11 =	smov.u32 s13  }
.LBB2_1:
0x11: {  	p0 =	sne.s32 s10, $0x0  }
.Ltmp2:
0x12: {  	_ = 	snop;
	(pc) =	sbr.rel @!p0 .LBB2_2-.Ltmp2, $1  }
0x13: {  	_ =	sdelay $0x3  }
0x14: {  	s13 =	sand.u32 $0x1, s10  }
0x15: {  	p0 =	seq.s32 s13, $0x0  }
.Ltmp3:
0x16: {  	_ = 	snop;
	(pc) =	sbr.rel @p0 .LBB2_9-.Ltmp3, $1  }
0x17: {  	_ =	sdelay $0x3  }
0x18: {  	_ =	swait.ge [sflag:s5], $0x40  }
0x19: {  	[sflag:s5] =	ssyncset.done $0x0  }
0x1a: {  	s13 =	simm.s32 $0x0;
	[sflag:s5] =	ssyncadd.s32 $0xFFFFFFC0  }
0x1b: {  	v0 =	vld.msk [tilespmem:s13+$0x40 ss:$0x1], $0xffff;
	_ =	sdelay $0x4  }
0x1c: {  	v1 =	vshll.u32 v0, $0x5  }
0x1d: {  	vm2 =	veq.s32 v0, $0x80000000;
	v0 =	vshll.u32 v0, $0x12;
	v1 =	vand.u32 $0x3FF80, v1  }
0x1e: {  	v0 =	vand.u32 $0xC0000, v0;
	v1 =	vsel vm2, $0xFFFFFF80, v1  }
0x1f: {  	v0 =	vsel vm2, $0xFFFC0000, v0;
	v2 =	vand.u32 $0xFFFFFC00, v1  }
0x20: {  	v1 =	vand.u32 $0x380, v1;
	v0 =	vadd.s32 v0, v2  }
0x21: {  	v0 =	vor.u32 v1, v0  }
0x22: {  	v0 =	vshrl.u32 v0, $0x3;
	_ =	sdelay $0x3  }
0x23: {  	s13 =	simm.s32 $0x2080  }
0x24: {  	[tilespmem:s13], [sflag:$0x1] =	stream.indirect_vreg.gather [hbm:s2], $0x80, v0, vm0, $0x38;
	[tilespmem:$0x4080] =	vst v63  }
0x25: {  	s14 =	simm.s32 $0x2480;
	s31 =	simm.s32 $0x10  }
0x26: {  	[tilespmem:s14], [sflag:$0x1] =	stream.indirect_vreg.gather [hbm:s2], $0x80, v0, vm1, $0x38;
	[tilespmem:$0x4080] =	vst v63  }
0x27: {  	s14 =	simm.s32 $0x80;
	v0 =	vld.msk [tilespmem:s31+$0x40 ss:$0x1], $0xffff  }
.LBB2_5:
0x28: {  	p0 =	sne.s32 s14, $0xC0;
	_ =	sdelay $0x4  }
0x29: {  	v1 =	vshll.u32 v0, $0x5  }
0x2a: {  	vm2 =	veq.s32 v0, $0x80000000;
	v0 =	vshll.u32 v0, $0x12;
	v1 =	vand.u32 $0x3FF80, v1  }
0x2b: {  	v0 =	vand.u32 $0xC0000, v0;
	v1 =	vsel vm2, $0xFFFFFF80, v1  }
0x2c: {  	v0 =	vsel vm2, $0xFFFC0000, v0;
	v2 =	vand.u32 $0xFFFFFC00, v1  }
0x2d: {  	v1 =	vand.u32 $0x380, v1;
	v0 =	vadd.s32 v0, v2  }
0x2e: {  	v0 =	vor.u32 v1, v0  }
0x2f: {  	v0 =	vshrl.u32 v0, $0x3;
	_ =	sdelay $0x3  }
.Ltmp4:
0x30: {  	s13 =	sadd.s32 $0x800, s13;
	(pc) =	sbr.rel @p0 .LBB2_5-.Ltmp4, $4  }
0x31: {  	[tilespmem:s13], [sflag:$0x1] =	stream.indirect_vreg.gather [hbm:s2], $0x80, v0, vm0, $0x38;
	[tilespmem:$0x4080] =	vst v63  }
0x32: {  	s15 =	sshra.s32 s14, $0x2;
	s16 =	sadd.s32 $0x400, s13  }
0x33: {  	[tilespmem:s16], [sflag:$0x1] =	stream.indirect_vreg.gather [hbm:s2], $0x80, v0, vm1, $0x38;
	[tilespmem:$0x4080] =	vst v63  }
0x34: {  	s14 =	sadd.s32 $0x40, s14;
	v0 =	vld.msk [tilespmem:s15+$0x40 ss:$0x1], $0xffff  }
0x35: {  	_ =	sdelay $0x3  }
0x36: {  	v1 =	vshll.u32 v0, $0x5  }
0x37: {  	vm2 =	veq.s32 v0, $0x80000000;
	v63 =	vshll.u32 v0, $0x12;
	v1 =	vand.u32 $0x3FF80, v1  }
0x38: {  	v0 =	vand.u32 $0xC0000, v63;
	v1 =	vsel vm2, $0xFFFFFF80, v1  }
0x39: {  	v0 =	vsel vm2, $0xFFFC0000, v0;
	v2 =	vand.u32 $0xFFFFFC00, v1  }
0x3a: {  	v1 =	vand.u32 $0x380, v1;
	v0 =	vadd.s32 v0, v2  }
0x3b: {  	v0 =	vor.u32 v1, v0  }
0x3c: {  	v0 =	vshrl.u32 v0, $0x3;
	_ =	sdelay $0x3  }
0x3d: {  	s13 =	sadd.s32 $0x800, s13  }
0x3e: {  	[tilespmem:s13], [sflag:$0x1] =	stream.indirect_vreg.gather [hbm:s2], $0x80, v0, vm0, $0x38;
	[tilespmem:$0x4080] =	vst v63  }
0x3f: {  	s13 =	sadd.s32 $0x400, s13  }
0x40: {  	[tilespmem:s13], [sflag:$0x1] =	stream.indirect_vreg.gather [hbm:s2], $0x80, v0, vm1, $0x38;
	[tilespmem:$0x4080] =	vst v63  }
0x41: {  	s12 =	sshll.u32 s12, $0x4;
	s14 =	simm.s32 $0x80;
	_ =	swait.ge [sflag:s4], $0x2000  }
0x42: {  	s15 =	simm.s32 $0x2480;
	s12 =	sadd.s32 s12, s7;
	[sflag:s4] =	ssyncset.done $0x0  }
0x43: {  	s16 =	sadd.s32 $0x0, s12;
	s13 =	simm.s32 $0x2080;
	[sflag:s4] =	ssyncadd.s32 $0xFFFFE000  }
.LBB2_7:
0x44: {  	[hbm:s16] =	stream.linear.scatter [tilespmem:s13], [sflag:$0x3], $0x400, $0x38;
	[tilespmem:$0x4080] =	vst v63  }
0x45: {  	s16 =	smov.u32 s14;
	s13 =	smov.u32 s15;
	p0 =	sne.s32 s14, $0x380  }
.Ltmp5:
0x46: {  	s14 =	sadd.s32 $0x80, s14;
	(pc) =	sbr.rel @p0 .LBB2_7-.Ltmp5, $2  }
0x47: {  	_ =	sdelay $0x2  }
0x48: {  	s15 =	sadd.s32 $0x400, s15;
	s16 =	sadd.s32 s16, s12  }
.Ltmp6:
0x49: {  	(pc) =	sbr.rel .LBB2_9-.Ltmp6, $2  }
0x4a: {  	_ =	sdelay $0x2  }
0x4b: {  	[hbm:s16] =	stream.linear.scatter [tilespmem:s13], [sflag:$0x3], $0x400, $0x38;
	[tilespmem:$0x4080] =	vst v63  }
.LBB2_2:
.Ltmp7:
0x4c: {  	(pc) =	sbr.rel .LBB2_10-.Ltmp7, $4  }
0x4d: {  	_ = 	snop  }
0x4e: {  	s12 =	sshrl.u32 s11, $0x3  }
0x4f: {  	s13 =	sand.u32 $0x7, s11;
	s12 =	sadd.s32 s3, s12  }
0x50: {  	[tilespmem:s9], [sflag:$0x2] =	stream.linear.gather [hbm4b:s12+s13], $0x40, $0x38;
	[tilespmem:$0x4080] =	vst v63  }
.LBB2_11:
0x51: {  	s2 =	simm.s32 $0x3  }
0x52: {  	_ =	swait.ge [sflag:s2], $0x2000  }
0x53: {  	[sflag:s2] =	ssyncset.done $0x0  }
0x54: {  	[sflag:s2] =	ssyncadd.s32 $0xFFFFE000  }
0x55: {  	_ =	sfence.sel $0x180000  }
0x56: {  	s3 =	simm.s32 $0x2;
	[bflag:$0x0] =	sbarrier.arrive $0xFFFF  }
0x57: {  	[sflag:s3] =	ssyncpa.u1 $0x1  }
0x58: {  	s31 =	simm.s32 $0x1;
	[sflag:s2] =	ssyncpa.u1 $0x1  }
0x59: {  	[sflag:s31] =	ssyncpa.u1 $0x1  }
0x5a: {  	p0 =	sne.s32 s1, $0x0;
	_ =	strace $0x90000047  }
0x5b: {  	s0 =	sadd.s32 @!p0 $0x100000, s0;
	[bflag:$0x2] =	sbarrier.arrive $0xFFFF  }
0x5c: {  	[sflag:s0] =	ssyncadd.tile.s32 @!p0 $0x1;
	_ =	shalt  }
.Lfunc_end2:
_tile_overlayer_lowered:
.L_overlay_start_2:
0x5d: {  	(tag) =	ssettag $0x2  }
0x5e: {  	s0 =	rddreg [dreg:$0x0];
	s2 =	stileid.u32  }
0x5f: {  	s1 =	rddreg [dreg:$0x1];
	p0 =	sne.s32 s2, $0x0  }
0x60: {  	s3 =	rddreg [dreg:$0x2];
	[bflag:$0x3] =	sbarrier.arrive $0xFFFF;
	s2 =	simm.s32 @!p0 $0x1C01  }
0x61: {  	[timem:s3], [sflag:s2] =	dma.local @!p0 [hbm:s0], s1  }
0x62: {  	s0 =	simm.s32 @!p0 $0x1  }
0x63: {  	_ =	swait.ge @!p0 [sflag:s0], s1  }
0x64: {  	s1 =	ssub.s32 @!p0 $0x0, s1;
	[sflag:s0] =	ssyncset.done @!p0 $0x0  }
0x65: {  	[sflag:s0] =	ssyncadd.s32 @!p0 s1  }
0x66: {  	[bflag:$0x3] =	sbarrier.arrive $0xFFFF  }
0x67: {  	_ =	shalt  }

</sc_bundles>
